<compile_context>
chip_gen: v7x
topology: tpu7x:2x2x1
jax: 0.10.2.dev20260603
libtpu: 0.0.44.dev20260713+nightly
codegen_flags: <defaults>
</compile_context>

<pallas_src>
import functools

import jax
import jax.numpy as jnp
from jax import lax
from jax.experimental import pallas as pl
from jax.experimental.pallas import tpu as pltpu
from jax.experimental.pallas import tpu_sc as plsc

N = 10000
E = 320000
D = 128
EPS = 1e-5

NC = 2
NS = 16
NW = NC * NS
CHUNK = 80
EPW = E // NW
NCHUNK = EPW // CHUNK
NPAD = 10240
RPS = NPAD // NS


def _seg_sum_body(x_hbm, ei_hbm, out_hbm,
                  sidx, didx, rows, aggsh, sem_a, sem_b, sem_da, sem_db):
    c = lax.axis_index("c")
    s = lax.axis_index("s")
    wid = c * NS + s

    zero = jnp.zeros((16,), jnp.float32)

    ra = rows.at[0]
    rb = rows.at[1]

    def zrow(i, carry):
        for j in range(D // 16):
            rows[0, i, pl.ds(j * 16, 16)] = zero
        return carry

    lax.fori_loop(0, CHUNK, zrow, 0)
    zbase = s * RPS
    for t in range(RPS // CHUNK):
        pltpu.sync_copy(ra, aggsh.at[pl.ds(zbase + t * CHUNK, CHUNK)])

    ebase = wid * EPW
    pltpu.sync_copy(ei_hbm.at[pl.ds(ebase, EPW)], sidx)
    plsc.subcore_barrier()

    def gstart(j, buf, sem):
        pltpu.async_copy(x_hbm.at[sidx.at[pl.ds(j * CHUNK, CHUNK)]], buf, sem)

    def gwait(j, buf, sem):
        pltpu.make_async_copy(x_hbm.at[sidx.at[pl.ds(j * CHUNK, CHUNK)]],
                              buf, sem).wait()

    def dstart(j, b, sem):
        pltpu.async_copy(ei_hbm.at[pl.ds(E + ebase + j * CHUNK, CHUNK)],
                         didx.at[b], sem)

    def dwait(j, b, sem):
        pltpu.make_async_copy(ei_hbm.at[pl.ds(E + ebase + j * CHUNK, CHUNK)],
                              didx.at[b], sem).wait()

    def scat(buf, b):
        pltpu.sync_copy(buf, aggsh.at[didx.at[b]], add=True)

    pltpu.sync_copy(ei_hbm.at[pl.ds(E + ebase, CHUNK)], didx.at[0])
    pltpu.sync_copy(ei_hbm.at[pl.ds(E + ebase + CHUNK, CHUNK)], didx.at[1])
    gstart(0, ra, sem_a)
    gstart(1, rb, sem_b)

    def body(k, carry):
        j = 2 * k
        gwait(j, ra, sem_a)
        scat(ra, 0)
        dstart(j + 2, 0, sem_da)
        gstart(j + 2, ra, sem_a)
        gwait(j + 1, rb, sem_b)
        scat(rb, 1)
        jn = jnp.minimum(j + 3, NCHUNK - 1)
        dstart(jn, 1, sem_db)
        gstart(jn, rb, sem_b)
        dwait(j + 2, 0, sem_da)
        dwait(jn, 1, sem_db)
        return carry

    lax.fori_loop(0, (NCHUNK - 1) // 2, body, 0)
    gwait(NCHUNK - 1, ra, sem_a)
    scat(ra, 0)
    gwait(NCHUNK - 1, rb, sem_b)
    plsc.subcore_barrier()

    pltpu.sync_copy(aggsh.at[pl.ds(s * RPS, RPS)],
                    out_hbm.at[c, pl.ds(s * RPS, RPS)])


@functools.partial(
    pl.kernel,
    out_type=jax.ShapeDtypeStruct((NC, NPAD, D), jnp.float32),
    mesh=plsc.VectorSubcoreMesh(core_axis_name="c", subcore_axis_name="s"),
    scratch_types=[
        pltpu.VMEM((EPW,), jnp.int32),
        pltpu.VMEM((2, CHUNK), jnp.int32),
        pltpu.VMEM((2, CHUNK, D), jnp.float32),
        pltpu.VMEM_SHARED((NPAD, D), jnp.float32),
        pltpu.SemaphoreType.DMA,
        pltpu.SemaphoreType.DMA,
        pltpu.SemaphoreType.DMA,
        pltpu.SemaphoreType.DMA,
    ],
)
def _seg_sum(x_hbm, ei_hbm, out_hbm,
             sidx, didx, rows, aggsh, sem_a, sem_b, sem_da, sem_db):
    _seg_sum_body(x_hbm, ei_hbm, out_hbm,
                  sidx, didx, rows, aggsh, sem_a, sem_b, sem_da, sem_db)


def _dense_body(agg_ref, x_ref, w_ref, b_ref, g_ref, be_ref, sn_ref, o_ref):
    a = agg_ref[...]
    agg = a[0, :N] + a[1, :N]
    h = jnp.dot(agg, w_ref[...], preferred_element_type=jnp.float32)
    h = (h + b_ref[...]) * sn_ref[...]
    mean = jnp.mean(h, axis=0, keepdims=True)
    var = jnp.mean((h - mean) * (h - mean), axis=0, keepdims=True)
    h = (h - mean) * lax.rsqrt(var + EPS) * g_ref[...] + be_ref[...]
    o_ref[...] = x_ref[...] + jnp.maximum(h, 0.0)


def kernel(x, edge_index, snorm_n, W, b, gamma, beta):
    agg2 = _seg_sum(x, edge_index.astype(jnp.int32).reshape(2 * E))
    return pl.pallas_call(
        _dense_body,
        out_shape=jax.ShapeDtypeStruct((N, D), jnp.float32),
    )(agg2, x, W, b.reshape(1, D), gamma.reshape(1, D),
      beta.reshape(1, D), snorm_n)

# --- scband reference (transcript-rebuilt; emitter-appended) ---
"""Pipeline reference for scband-expander-gcnlayer-44744969290330 (READ-ONLY COPY).

The authoritative reference and input builder live on the scoring server;
editing this copy changes nothing except your own understanding.
"""

import jax, jax.numpy as jnp
import numpy as np

N = 10000
E = 320000
D = 128
EPS = 1e-5

def setup_inputs(seed: int = 0) -> dict:
    key = jax.random.key(seed)
    k_x, k_e, k_s, k_w, k_b, k_g, k_bt = jax.random.split(key, 7)
    x = jax.random.normal(k_x, (N, D), dtype=jnp.float32)
    edge_index = jax.random.randint(k_e, (2, E), 0, N, dtype=jnp.int64)
    snorm_n = jax.random.uniform(k_s, (N, 1), dtype=jnp.float32)
    W = jax.random.normal(k_w, (D, D), dtype=jnp.float32) * (1.0 / np.sqrt(D))
    b = jnp.zeros((D,), dtype=jnp.float32)
    gamma = jnp.ones((D,), dtype=jnp.float32)
    beta = jnp.zeros((D,), dtype=jnp.float32)
    return {"x": x, "edge_index": edge_index, "snorm_n": snorm_n, "W": W, "b": b, "gamma": gamma, "beta": beta}

def reference(x, edge_index, snorm_n, W, b, gamma, beta):
    # DGL update_all(copy_src('h','m'), sum('m','h')):
    # gather source node features along edges, scatter-add into destination nodes
    src = edge_index[0]
    dst = edge_index[1]
    messages = jnp.take(x, src, axis=0)                      # gather  [E, D]
    agg = jax.ops.segment_sum(messages, dst, num_segments=N)  # scatter-add [N, D]
    # apply_func: node-wise MLP (single linear layer indim->outdim)
    h = agg @ W + b
    # graph_norm: multiply by per-node graph-size normalizer
    h = h * snorm_n
    # batch_norm (training-mode BatchNorm1d, biased variance, eps=1e-5)
    mean = jnp.mean(h, axis=0)
    var = jnp.var(h, axis=0)
    h = (h - mean) / jnp.sqrt(var + EPS) * gamma + beta
    # activation
    h = jax.nn.relu(h)
    # residual (indim == outdim so enabled)
    h = x + h
    # dropout p=0.0 -> identity
    return h

if __name__ == "__main__":
    import jax
    _d = setup_inputs()
    print(jax.jit(kernel)(*tuple(_d.values())))

</pallas_src>

<mosaic_0001>
#map = affine_map<(d0, d1) -> (0, 0)>
#map1 = affine_map<(d0, d1) -> (0)>
#map2 = affine_map<(d0, d1) -> (0, 0, 0)>
module attributes {stable_mosaic.version = 14 : i64} {
  func.func @_seg_sum(%arg0: i32, %arg1: i32, %arg2: memref<10000x128xf32, #tpu.memory_space<hbm>>, %arg3: memref<640000xi32, #tpu.memory_space<hbm>>, %arg4: memref<2x10240x128xf32, #tpu.memory_space<hbm>>, %arg5: memref<10000xi32, #tpu.memory_space<vmem>>, %arg6: memref<2x80xi32, #tpu.memory_space<vmem>>, %arg7: memref<2x80x128xf32, #tpu.memory_space<vmem>>, %arg8: memref<10240x128xf32, #tpu.memory_space<vmem_shared>>, %arg9: memref<!tpu.dma_semaphore, #tpu.memory_space<semaphore_mem>>, %arg10: memref<!tpu.dma_semaphore, #tpu.memory_space<semaphore_mem>>, %arg11: memref<!tpu.dma_semaphore, #tpu.memory_space<semaphore_mem>>, %arg12: memref<!tpu.dma_semaphore, #tpu.memory_space<semaphore_mem>>) attributes {dimension_semantics = [#tpu.dimension_semantics<core_parallel>, #tpu.dimension_semantics<subcore_parallel>], iteration_bounds = array<i64: 2, 16>, scalar_prefetch = 0 : i64, scratch_operands = 8 : i64, tpu.core_type = #tpu.core_type<sc_vector_subcore>, window_params = [{transform_indices = #map}, {transform_indices = #map1}, {transform_indices = #map2}]} {
    %mul3A = arith.constant 16 : i32
    %mul3A_0 = arith.muli %arg0, %mul3A : i32
    %add3A = arith.addi %mul3A_0, %arg1 : i32
    %broadcast_in_dim3A = arith.constant 0.000000e+00 : f32
    %broadcast_in_dim3A_1 = vector.broadcast %broadcast_in_dim3A : f32 to vector<16xf32>
    %scan3A = arith.constant 0 : i32
    %scan3A_2 = arith.constant 0 : i32
    %scan3A_3 = arith.constant 80 : i32
    %scan3A_4 = arith.addi %scan3A_2, %scan3A_3 : i32
    %scan3A_5 = arith.constant 1 : i32
    scf.for %scan3A_95 = %scan3A_2 to %scan3A_4 step %scan3A_5  : i32 {
      %swap3A = arith.constant 0 : i32
      %swap3A_96 = arith.index_cast %swap3A : i32 to index
      %swap3A_97 = arith.index_cast %scan3A_95 : i32 to index
      %swap3A_98 = arith.constant 0 : index
      %swap3A_99 = tpu.vector_load %arg7[%swap3A_96, %swap3A_97, %swap3A_98] {strides = array<i32>} : memref<2x80x128xf32, #tpu.memory_space<vmem>>, vector<1x1x16xf32>,
      %swap3A_100 = vector.shape_cast %swap3A_99 : vector<1x1x16xf32> to vector<16xf32>
      %swap3A_101 = vector.shape_cast %broadcast_in_dim3A_1 : vector<16xf32> to vector<1x1x16xf32>
      tpu.vector_store %arg7[%swap3A_96, %swap3A_97, %swap3A_98], %swap3A_101 {strides = array<i32>} : memref<2x80x128xf32, #tpu.memory_space<vmem>>, vector<1x1x16xf32>,
      %swap3A_102 = arith.constant 0 : i32
      %swap3A_103 = arith.index_cast %swap3A_102 : i32 to index
      %swap3A_104 = arith.index_cast %scan3A_95 : i32 to index
      %swap3A_105 = arith.constant 16 : index
      %swap3A_106 = tpu.vector_load %arg7[%swap3A_103, %swap3A_104, %swap3A_105] {strides = array<i32>} : memref<2x80x128xf32, #tpu.memory_space<vmem>>, vector<1x1x16xf32>,
      %swap3A_107 = vector.shape_cast %swap3A_106 : vector<1x1x16xf32> to vector<16xf32>
      %swap3A_108 = vector.shape_cast %broadcast_in_dim3A_1 : vector<16xf32> to vector<1x1x16xf32>
      tpu.vector_store %arg7[%swap3A_103, %swap3A_104, %swap3A_105], %swap3A_108 {strides = array<i32>} : memref<2x80x128xf32, #tpu.memory_space<vmem>>, vector<1x1x16xf32>,
      %swap3A_109 = arith.constant 0 : i32
      %swap3A_110 = arith.index_cast %swap3A_109 : i32 to index
      %swap3A_111 = arith.index_cast %scan3A_95 : i32 to index
      %swap3A_112 = arith.constant 32 : index
      %swap3A_113 = tpu.vector_load %arg7[%swap3A_110, %swap3A_111, %swap3A_112] {strides = array<i32>} : memref<2x80x128xf32, #tpu.memory_space<vmem>>, vector<1x1x16xf32>,
      %swap3A_114 = vector.shape_cast %swap3A_113 : vector<1x1x16xf32> to vector<16xf32>
      %swap3A_115 = vector.shape_cast %broadcast_in_dim3A_1 : vector<16xf32> to vector<1x1x16xf32>
      tpu.vector_store %arg7[%swap3A_110, %swap3A_111, %swap3A_112], %swap3A_115 {strides = array<i32>} : memref<2x80x128xf32, #tpu.memory_space<vmem>>, vector<1x1x16xf32>,
      %swap3A_116 = arith.constant 0 : i32
      %swap3A_117 = arith.index_cast %swap3A_116 : i32 to index
      %swap3A_118 = arith.index_cast %scan3A_95 : i32 to index
      %swap3A_119 = arith.constant 48 : index
      %swap3A_120 = tpu.vector_load %arg7[%swap3A_117, %swap3A_118, %swap3A_119] {strides = array<i32>} : memref<2x80x128xf32, #tpu.memory_space<vmem>>, vector<1x1x16xf32>,
      %swap3A_121 = vector.shape_cast %swap3A_120 : vector<1x1x16xf32> to vector<16xf32>
      %swap3A_122 = vector.shape_cast %broadcast_in_dim3A_1 : vector<16xf32> to vector<1x1x16xf32>
      tpu.vector_store %arg7[%swap3A_117, %swap3A_118, %swap3A_119], %swap3A_122 {strides = array<i32>} : memref<2x80x128xf32, #tpu.memory_space<vmem>>, vector<1x1x16xf32>,
      %swap3A_123 = arith.constant 0 : i32
      %swap3A_124 = arith.index_cast %swap3A_123 : i32 to index
      %swap3A_125 = arith.index_cast %scan3A_95 : i32 to index
      %swap3A_126 = arith.constant 64 : index
      %swap3A_127 = tpu.vector_load %arg7[%swap3A_124, %swap3A_125, %swap3A_126] {strides = array<i32>} : memref<2x80x128xf32, #tpu.memory_space<vmem>>, vector<1x1x16xf32>,
      %swap3A_128 = vector.shape_cast %swap3A_127 : vector<1x1x16xf32> to vector<16xf32>
      %swap3A_129 = vector.shape_cast %broadcast_in_dim3A_1 : vector<16xf32> to vector<1x1x16xf32>
      tpu.vector_store %arg7[%swap3A_124, %swap3A_125, %swap3A_126], %swap3A_129 {strides = array<i32>} : memref<2x80x128xf32, #tpu.memory_space<vmem>>, vector<1x1x16xf32>,
      %swap3A_130 = arith.constant 0 : i32
      %swap3A_131 = arith.index_cast %swap3A_130 : i32 to index
      %swap3A_132 = arith.index_cast %scan3A_95 : i32 to index
      %swap3A_133 = arith.constant 80 : index
      %swap3A_134 = tpu.vector_load %arg7[%swap3A_131, %swap3A_132, %swap3A_133] {strides = array<i32>} : memref<2x80x128xf32, #tpu.memory_space<vmem>>, vector<1x1x16xf32>,
      %swap3A_135 = vector.shape_cast %swap3A_134 : vector<1x1x16xf32> to vector<16xf32>
      %swap3A_136 = vector.shape_cast %broadcast_in_dim3A_1 : vector<16xf32> to vector<1x1x16xf32>
      tpu.vector_store %arg7[%swap3A_131, %swap3A_132, %swap3A_133], %swap3A_136 {strides = array<i32>} : memref<2x80x128xf32, #tpu.memory_space<vmem>>, vector<1x1x16xf32>,
      %swap3A_137 = arith.constant 0 : i32
      %swap3A_138 = arith.index_cast %swap3A_137 : i32 to index
      %swap3A_139 = arith.index_cast %scan3A_95 : i32 to index
      %swap3A_140 = arith.constant 96 : index
      %swap3A_141 = tpu.vector_load %arg7[%swap3A_138, %swap3A_139, %swap3A_140] {strides = array<i32>} : memref<2x80x128xf32, #tpu.memory_space<vmem>>, vector<1x1x16xf32>,
      %swap3A_142 = vector.shape_cast %swap3A_141 : vector<1x1x16xf32> to vector<16xf32>
      %swap3A_143 = vector.shape_cast %broadcast_in_dim3A_1 : vector<16xf32> to vector<1x1x16xf32>
      tpu.vector_store %arg7[%swap3A_138, %swap3A_139, %swap3A_140], %swap3A_143 {strides = array<i32>} : memref<2x80x128xf32, #tpu.memory_space<vmem>>, vector<1x1x16xf32>,
      %swap3A_144 = arith.constant 0 : i32
      %swap3A_145 = arith.index_cast %swap3A_144 : i32 to index
      %swap3A_146 = arith.index_cast %scan3A_95 : i32 to index
      %swap3A_147 = arith.constant 112 : index
      %swap3A_148 = tpu.vector_load %arg7[%swap3A_145, %swap3A_146, %swap3A_147] {strides = array<i32>} : memref<2x80x128xf32, #tpu.memory_space<vmem>>, vector<1x1x16xf32>,
      %swap3A_149 = vector.shape_cast %swap3A_148 : vector<1x1x16xf32> to vector<16xf32>
      %swap3A_150 = vector.shape_cast %broadcast_in_dim3A_1 : vector<16xf32> to vector<1x1x16xf32>
      tpu.vector_store %arg7[%swap3A_145, %swap3A_146, %swap3A_147], %swap3A_150 {strides = array<i32>} : memref<2x80x128xf32, #tpu.memory_space<vmem>>, vector<1x1x16xf32>,
    }
    %scan3A_6 = arith.constant 80 : i32
    %mul3A_7 = arith.constant 640 : i32
    %mul3A_8 = arith.muli %arg1, %mul3A_7 : i32
    %add3A_9 = arith.constant 0 : i32
    %add3A_10 = arith.addi %mul3A_8, %add3A_9 : i32
    %run_scoped3A = arith.constant 0 : i32
    "tpu.region"() ({
      %run_scoped3A_95 = tpu.sem_alloc : memref<!tpu.dma_semaphore, #tpu.memory_space<semaphore_mem>>
      %dma_start3A_96 = arith.constant 0 : i32
      %dma_start3A_97 = arith.constant 0 : i32
      %dma_start3A_98 = tpu.memref_slice %arg7[%run_scoped3A, %dma_start3A_96, %dma_start3A_97] : memref<2x80x128xf32, #tpu.memory_space<vmem>> -> memref<1x80x128xf32, #tpu.memory_space<vmem>>
      %dma_start3A_99 = tpu.memref_squeeze %dma_start3A_98 : memref<1x80x128xf32, #tpu.memory_space<vmem>> -> memref<80x128xf32, #tpu.memory_space<vmem>>
      %dma_start3A_100 = arith.constant 0 : i32
      %dma_start3A_101 = tpu.memref_slice %arg8[%add3A_10, %dma_start3A_100] : memref<10240x128xf32, #tpu.memory_space<vmem_shared>> -> memref<80x128xf32, #tpu.memory_space<vmem_shared>>
      %dma_start3A_102 = arith.constant 0 : i32
      %dma_start3A_103 = tpu.memref_slice %arg8[%add3A_10, %dma_start3A_102] : memref<10240x128xf32, #tpu.memory_space<vmem_shared>> -> memref<80x128xf32, #tpu.memory_space<vmem_shared>>
      %dma_start3A_104 = arith.constant 0 : i32
      %dma_start3A_105 = arith.constant 0 : i32
      %dma_start3A_106 = tpu.memref_slice %arg7[%run_scoped3A, %dma_start3A_104, %dma_start3A_105] : memref<2x80x128xf32, #tpu.memory_space<vmem>> -> memref<1x80x128xf32, #tpu.memory_space<vmem>>
      %dma_start3A_107 = tpu.memref_squeeze %dma_start3A_106 : memref<1x80x128xf32, #tpu.memory_space<vmem>> -> memref<80x128xf32, #tpu.memory_space<vmem>>
      tpu.enqueue_dma source(%dma_start3A_107 : memref<80x128xf32, #tpu.memory_space<vmem>>) target(%dma_start3A_103 : memref<80x128xf32, #tpu.memory_space<vmem_shared>>) target_semaphore(%run_scoped3A_95 : memref<!tpu.dma_semaphore, #tpu.memory_space<semaphore_mem>>)
      %dma_wait3A_108 = arith.constant 0 : i32
      %dma_wait3A_109 = arith.constant 0 : i32
      %dma_wait3A_110 = tpu.memref_slice %arg7[%run_scoped3A, %dma_wait3A_108, %dma_wait3A_109] : memref<2x80x128xf32, #tpu.memory_space<vmem>> -> memref<1x80x128xf32, #tpu.memory_space<vmem>>
      %dma_wait3A_111 = tpu.memref_squeeze %dma_wait3A_110 : memref<1x80x128xf32, #tpu.memory_space<vmem>> -> memref<80x128xf32, #tpu.memory_space<vmem>>
      %dma_wait3A_112 = arith.constant 0 : i32
      %dma_wait3A_113 = tpu.memref_slice %arg8[%add3A_10, %dma_wait3A_112] : memref<10240x128xf32, #tpu.memory_space<vmem_shared>> -> memref<80x128xf32, #tpu.memory_space<vmem_shared>>
      %dma_wait3A_114 = arith.constant 0 : i32
      %dma_wait3A_115 = tpu.memref_slice %arg8[%add3A_10, %dma_wait3A_114] : memref<10240x128xf32, #tpu.memory_space<vmem_shared>> -> memref<80x128xf32, #tpu.memory_space<vmem_shared>>
      %dma_wait3A_116 = arith.constant 0 : i32
      %dma_wait3A_117 = arith.constant 0 : i32
      %dma_wait3A_118 = tpu.memref_slice %arg7[%run_scoped3A, %dma_wait3A_116, %dma_wait3A_117] : memref<2x80x128xf32, #tpu.memory_space<vmem>> -> memref<1x80x128xf32, #tpu.memory_space<vmem>>
      %dma_wait3A_119 = tpu.memref_squeeze %dma_wait3A_118 : memref<1x80x128xf32, #tpu.memory_space<vmem>> -> memref<80x128xf32, #tpu.memory_space<vmem>>
      tpu.wait_dma2 semaphore(%run_scoped3A_95 : memref<!tpu.dma_semaphore, #tpu.memory_space<semaphore_mem>>) src(%dma_wait3A_119 : memref<80x128xf32, #tpu.memory_space<vmem>>) dst(%dma_wait3A_115 : memref<80x128xf32, #tpu.memory_space<vmem_shared>>)
      tpu.yield
    }) : () -> ()
    %add3A_11 = arith.constant 80 : i32
    %add3A_12 = arith.addi %mul3A_8, %add3A_11 : i32
    %run_scoped3A_13 = arith.constant 0 : i32
    "tpu.region"() ({
      %run_scoped3A_95 = tpu.sem_alloc : memref<!tpu.dma_semaphore, #tpu.memory_space<semaphore_mem>>
      %dma_start3A_96 = arith.constant 0 : i32
      %dma_start3A_97 = arith.constant 0 : i32
      %dma_start3A_98 = tpu.memref_slice %arg7[%run_scoped3A_13, %dma_start3A_96, %dma_start3A_97] : memref<2x80x128xf32, #tpu.memory_space<vmem>> -> memref<1x80x128xf32, #tpu.memory_space<vmem>>
      %dma_start3A_99 = tpu.memref_squeeze %dma_start3A_98 : memref<1x80x128xf32, #tpu.memory_space<vmem>> -> memref<80x128xf32, #tpu.memory_space<vmem>>
      %dma_start3A_100 = arith.constant 0 : i32
      %dma_start3A_101 = tpu.memref_slice %arg8[%add3A_12, %dma_start3A_100] : memref<10240x128xf32, #tpu.memory_space<vmem_shared>> -> memref<80x128xf32, #tpu.memory_space<vmem_shared>>
      %dma_start3A_102 = arith.constant 0 : i32
      %dma_start3A_103 = tpu.memref_slice %arg8[%add3A_12, %dma_start3A_102] : memref<10240x128xf32, #tpu.memory_space<vmem_shared>> -> memref<80x128xf32, #tpu.memory_space<vmem_shared>>
      %dma_start3A_104 = arith.constant 0 : i32
      %dma_start3A_105 = arith.constant 0 : i32
      %dma_start3A_106 = tpu.memref_slice %arg7[%run_scoped3A_13, %dma_start3A_104, %dma_start3A_105] : memref<2x80x128xf32, #tpu.memory_space<vmem>> -> memref<1x80x128xf32, #tpu.memory_space<vmem>>
      %dma_start3A_107 = tpu.memref_squeeze %dma_start3A_106 : memref<1x80x128xf32, #tpu.memory_space<vmem>> -> memref<80x128xf32, #tpu.memory_space<vmem>>
      tpu.enqueue_dma source(%dma_start3A_107 : memref<80x128xf32, #tpu.memory_space<vmem>>) target(%dma_start3A_103 : memref<80x128xf32, #tpu.memory_space<vmem_shared>>) target_semaphore(%run_scoped3A_95 : memref<!tpu.dma_semaphore, #tpu.memory_space<semaphore_mem>>)
      %dma_wait3A_108 = arith.constant 0 : i32
      %dma_wait3A_109 = arith.constant 0 : i32
      %dma_wait3A_110 = tpu.memref_slice %arg7[%run_scoped3A_13, %dma_wait3A_108, %dma_wait3A_109] : memref<2x80x128xf32, #tpu.memory_space<vmem>> -> memref<1x80x128xf32, #tpu.memory_space<vmem>>
      %dma_wait3A_111 = tpu.memref_squeeze %dma_wait3A_110 : memref<1x80x128xf32, #tpu.memory_space<vmem>> -> memref<80x128xf32, #tpu.memory_space<vmem>>
      %dma_wait3A_112 = arith.constant 0 : i32
      %dma_wait3A_113 = tpu.memref_slice %arg8[%add3A_12, %dma_wait3A_112] : memref<10240x128xf32, #tpu.memory_space<vmem_shared>> -> memref<80x128xf32, #tpu.memory_space<vmem_shared>>
      %dma_wait3A_114 = arith.constant 0 : i32
      %dma_wait3A_115 = tpu.memref_slice %arg8[%add3A_12, %dma_wait3A_114] : memref<10240x128xf32, #tpu.memory_space<vmem_shared>> -> memref<80x128xf32, #tpu.memory_space<vmem_shared>>
      %dma_wait3A_116 = arith.constant 0 : i32
      %dma_wait3A_117 = arith.constant 0 : i32
      %dma_wait3A_118 = tpu.memref_slice %arg7[%run_scoped3A_13, %dma_wait3A_116, %dma_wait3A_117] : memref<2x80x128xf32, #tpu.memory_space<vmem>> -> memref<1x80x128xf32, #tpu.memory_space<vmem>>
      %dma_wait3A_119 = tpu.memref_squeeze %dma_wait3A_118 : memref<1x80x128xf32, #tpu.memory_space<vmem>> -> memref<80x128xf32, #tpu.memory_space<vmem>>
      tpu.wait_dma2 semaphore(%run_scoped3A_95 : memref<!tpu.dma_semaphore, #tpu.memory_space<semaphore_mem>>) src(%dma_wait3A_119 : memref<80x128xf32, #tpu.memory_space<vmem>>) dst(%dma_wait3A_115 : memref<80x128xf32, #tpu.memory_space<vmem_shared>>)
      tpu.yield
    }) : () -> ()
    %add3A_14 = arith.constant 160 : i32
    %add3A_15 = arith.addi %mul3A_8, %add3A_14 : i32
    %run_scoped3A_16 = arith.constant 0 : i32
    "tpu.region"() ({
      %run_scoped3A_95 = tpu.sem_alloc : memref<!tpu.dma_semaphore, #tpu.memory_space<semaphore_mem>>
      %dma_start3A_96 = arith.constant 0 : i32
      %dma_start3A_97 = arith.constant 0 : i32
      %dma_start3A_98 = tpu.memref_slice %arg7[%run_scoped3A_16, %dma_start3A_96, %dma_start3A_97] : memref<2x80x128xf32, #tpu.memory_space<vmem>> -> memref<1x80x128xf32, #tpu.memory_space<vmem>>
      %dma_start3A_99 = tpu.memref_squeeze %dma_start3A_98 : memref<1x80x128xf32, #tpu.memory_space<vmem>> -> memref<80x128xf32, #tpu.memory_space<vmem>>
      %dma_start3A_100 = arith.constant 0 : i32
      %dma_start3A_101 = tpu.memref_slice %arg8[%add3A_15, %dma_start3A_100] : memref<10240x128xf32, #tpu.memory_space<vmem_shared>> -> memref<80x128xf32, #tpu.memory_space<vmem_shared>>
      %dma_start3A_102 = arith.constant 0 : i32
      %dma_start3A_103 = tpu.memref_slice %arg8[%add3A_15, %dma_start3A_102] : memref<10240x128xf32, #tpu.memory_space<vmem_shared>> -> memref<80x128xf32, #tpu.memory_space<vmem_shared>>
      %dma_start3A_104 = arith.constant 0 : i32
      %dma_start3A_105 = arith.constant 0 : i32
      %dma_start3A_106 = tpu.memref_slice %arg7[%run_scoped3A_16, %dma_start3A_104, %dma_start3A_105] : memref<2x80x128xf32, #tpu.memory_space<vmem>> -> memref<1x80x128xf32, #tpu.memory_space<vmem>>
      %dma_start3A_107 = tpu.memref_squeeze %dma_start3A_106 : memref<1x80x128xf32, #tpu.memory_space<vmem>> -> memref<80x128xf32, #tpu.memory_space<vmem>>
      tpu.enqueue_dma source(%dma_start3A_107 : memref<80x128xf32, #tpu.memory_space<vmem>>) target(%dma_start3A_103 : memref<80x128xf32, #tpu.memory_space<vmem_shared>>) target_semaphore(%run_scoped3A_95 : memref<!tpu.dma_semaphore, #tpu.memory_space<semaphore_mem>>)
      %dma_wait3A_108 = arith.constant 0 : i32
      %dma_wait3A_109 = arith.constant 0 : i32
      %dma_wait3A_110 = tpu.memref_slice %arg7[%run_scoped3A_16, %dma_wait3A_108, %dma_wait3A_109] : memref<2x80x128xf32, #tpu.memory_space<vmem>> -> memref<1x80x128xf32, #tpu.memory_space<vmem>>
      %dma_wait3A_111 = tpu.memref_squeeze %dma_wait3A_110 : memref<1x80x128xf32, #tpu.memory_space<vmem>> -> memref<80x128xf32, #tpu.memory_space<vmem>>
      %dma_wait3A_112 = arith.constant 0 : i32
      %dma_wait3A_113 = tpu.memref_slice %arg8[%add3A_15, %dma_wait3A_112] : memref<10240x128xf32, #tpu.memory_space<vmem_shared>> -> memref<80x128xf32, #tpu.memory_space<vmem_shared>>
      %dma_wait3A_114 = arith.constant 0 : i32
      %dma_wait3A_115 = tpu.memref_slice %arg8[%add3A_15, %dma_wait3A_114] : memref<10240x128xf32, #tpu.memory_space<vmem_shared>> -> memref<80x128xf32, #tpu.memory_space<vmem_shared>>
      %dma_wait3A_116 = arith.constant 0 : i32
      %dma_wait3A_117 = arith.constant 0 : i32
      %dma_wait3A_118 = tpu.memref_slice %arg7[%run_scoped3A_16, %dma_wait3A_116, %dma_wait3A_117] : memref<2x80x128xf32, #tpu.memory_space<vmem>> -> memref<1x80x128xf32, #tpu.memory_space<vmem>>
      %dma_wait3A_119 = tpu.memref_squeeze %dma_wait3A_118 : memref<1x80x128xf32, #tpu.memory_space<vmem>> -> memref<80x128xf32, #tpu.memory_space<vmem>>
      tpu.wait_dma2 semaphore(%run_scoped3A_95 : memref<!tpu.dma_semaphore, #tpu.memory_space<semaphore_mem>>) src(%dma_wait3A_119 : memref<80x128xf32, #tpu.memory_space<vmem>>) dst(%dma_wait3A_115 : memref<80x128xf32, #tpu.memory_space<vmem_shared>>)
      tpu.yield
    }) : () -> ()
    %add3A_17 = arith.constant 240 : i32
    %add3A_18 = arith.addi %mul3A_8, %add3A_17 : i32
    %run_scoped3A_19 = arith.constant 0 : i32
    "tpu.region"() ({
      %run_scoped3A_95 = tpu.sem_alloc : memref<!tpu.dma_semaphore, #tpu.memory_space<semaphore_mem>>
      %dma_start3A_96 = arith.constant 0 : i32
      %dma_start3A_97 = arith.constant 0 : i32
      %dma_start3A_98 = tpu.memref_slice %arg7[%run_scoped3A_19, %dma_start3A_96, %dma_start3A_97] : memref<2x80x128xf32, #tpu.memory_space<vmem>> -> memref<1x80x128xf32, #tpu.memory_space<vmem>>
      %dma_start3A_99 = tpu.memref_squeeze %dma_start3A_98 : memref<1x80x128xf32, #tpu.memory_space<vmem>> -> memref<80x128xf32, #tpu.memory_space<vmem>>
      %dma_start3A_100 = arith.constant 0 : i32
      %dma_start3A_101 = tpu.memref_slice %arg8[%add3A_18, %dma_start3A_100] : memref<10240x128xf32, #tpu.memory_space<vmem_shared>> -> memref<80x128xf32, #tpu.memory_space<vmem_shared>>
      %dma_start3A_102 = arith.constant 0 : i32
      %dma_start3A_103 = tpu.memref_slice %arg8[%add3A_18, %dma_start3A_102] : memref<10240x128xf32, #tpu.memory_space<vmem_shared>> -> memref<80x128xf32, #tpu.memory_space<vmem_shared>>
      %dma_start3A_104 = arith.constant 0 : i32
      %dma_start3A_105 = arith.constant 0 : i32
      %dma_start3A_106 = tpu.memref_slice %arg7[%run_scoped3A_19, %dma_start3A_104, %dma_start3A_105] : memref<2x80x128xf32, #tpu.memory_space<vmem>> -> memref<1x80x128xf32, #tpu.memory_space<vmem>>
      %dma_start3A_107 = tpu.memref_squeeze %dma_start3A_106 : memref<1x80x128xf32, #tpu.memory_space<vmem>> -> memref<80x128xf32, #tpu.memory_space<vmem>>
      tpu.enqueue_dma source(%dma_start3A_107 : memref<80x128xf32, #tpu.memory_space<vmem>>) target(%dma_start3A_103 : memref<80x128xf32, #tpu.memory_space<vmem_shared>>) target_semaphore(%run_scoped3A_95 : memref<!tpu.dma_semaphore, #tpu.memory_space<semaphore_mem>>)
      %dma_wait3A_108 = arith.constant 0 : i32
      %dma_wait3A_109 = arith.constant 0 : i32
      %dma_wait3A_110 = tpu.memref_slice %arg7[%run_scoped3A_19, %dma_wait3A_108, %dma_wait3A_109] : memref<2x80x128xf32, #tpu.memory_space<vmem>> -> memref<1x80x128xf32, #tpu.memory_space<vmem>>
      %dma_wait3A_111 = tpu.memref_squeeze %dma_wait3A_110 : memref<1x80x128xf32, #tpu.memory_space<vmem>> -> memref<80x128xf32, #tpu.memory_space<vmem>>
      %dma_wait3A_112 = arith.constant 0 : i32
      %dma_wait3A_113 = tpu.memref_slice %arg8[%add3A_18, %dma_wait3A_112] : memref<10240x128xf32, #tpu.memory_space<vmem_shared>> -> memref<80x128xf32, #tpu.memory_space<vmem_shared>>
      %dma_wait3A_114 = arith.constant 0 : i32
      %dma_wait3A_115 = tpu.memref_slice %arg8[%add3A_18, %dma_wait3A_114] : memref<10240x128xf32, #tpu.memory_space<vmem_shared>> -> memref<80x128xf32, #tpu.memory_space<vmem_shared>>
      %dma_wait3A_116 = arith.constant 0 : i32
      %dma_wait3A_117 = arith.constant 0 : i32
      %dma_wait3A_118 = tpu.memref_slice %arg7[%run_scoped3A_19, %dma_wait3A_116, %dma_wait3A_117] : memref<2x80x128xf32, #tpu.memory_space<vmem>> -> memref<1x80x128xf32, #tpu.memory_space<vmem>>
      %dma_wait3A_119 = tpu.memref_squeeze %dma_wait3A_118 : memref<1x80x128xf32, #tpu.memory_space<vmem>> -> memref<80x128xf32, #tpu.memory_space<vmem>>
      tpu.wait_dma2 semaphore(%run_scoped3A_95 : memref<!tpu.dma_semaphore, #tpu.memory_space<semaphore_mem>>) src(%dma_wait3A_119 : memref<80x128xf32, #tpu.memory_space<vmem>>) dst(%dma_wait3A_115 : memref<80x128xf32, #tpu.memory_space<vmem_shared>>)
      tpu.yield
    }) : () -> ()
    %add3A_20 = arith.constant 320 : i32
    %add3A_21 = arith.addi %mul3A_8, %add3A_20 : i32
    %run_scoped3A_22 = arith.constant 0 : i32
    "tpu.region"() ({
      %run_scoped3A_95 = tpu.sem_alloc : memref<!tpu.dma_semaphore, #tpu.memory_space<semaphore_mem>>
      %dma_start3A_96 = arith.constant 0 : i32
      %dma_start3A_97 = arith.constant 0 : i32
      %dma_start3A_98 = tpu.memref_slice %arg7[%run_scoped3A_22, %dma_start3A_96, %dma_start3A_97] : memref<2x80x128xf32, #tpu.memory_space<vmem>> -> memref<1x80x128xf32, #tpu.memory_space<vmem>>
      %dma_start3A_99 = tpu.memref_squeeze %dma_start3A_98 : memref<1x80x128xf32, #tpu.memory_space<vmem>> -> memref<80x128xf32, #tpu.memory_space<vmem>>
      %dma_start3A_100 = arith.constant 0 : i32
      %dma_start3A_101 = tpu.memref_slice %arg8[%add3A_21, %dma_start3A_100] : memref<10240x128xf32, #tpu.memory_space<vmem_shared>> -> memref<80x128xf32, #tpu.memory_space<vmem_shared>>
      %dma_start3A_102 = arith.constant 0 : i32
      %dma_start3A_103 = tpu.memref_slice %arg8[%add3A_21, %dma_start3A_102] : memref<10240x128xf32, #tpu.memory_space<vmem_shared>> -> memref<80x128xf32, #tpu.memory_space<vmem_shared>>
      %dma_start3A_104 = arith.constant 0 : i32
      %dma_start3A_105 = arith.constant 0 : i32
      %dma_start3A_106 = tpu.memref_slice %arg7[%run_scoped3A_22, %dma_start3A_104, %dma_start3A_105] : memref<2x80x128xf32, #tpu.memory_space<vmem>> -> memref<1x80x128xf32, #tpu.memory_space<vmem>>
      %dma_start3A_107 = tpu.memref_squeeze %dma_start3A_106 : memref<1x80x128xf32, #tpu.memory_space<vmem>> -> memref<80x128xf32, #tpu.memory_space<vmem>>
      tpu.enqueue_dma source(%dma_start3A_107 : memref<80x128xf32, #tpu.memory_space<vmem>>) target(%dma_start3A_103 : memref<80x128xf32, #tpu.memory_space<vmem_shared>>) target_semaphore(%run_scoped3A_95 : memref<!tpu.dma_semaphore, #tpu.memory_space<semaphore_mem>>)
      %dma_wait3A_108 = arith.constant 0 : i32
      %dma_wait3A_109 = arith.constant 0 : i32
      %dma_wait3A_110 = tpu.memref_slice %arg7[%run_scoped3A_22, %dma_wait3A_108, %dma_wait3A_109] : memref<2x80x128xf32, #tpu.memory_space<vmem>> -> memref<1x80x128xf32, #tpu.memory_space<vmem>>
      %dma_wait3A_111 = tpu.memref_squeeze %dma_wait3A_110 : memref<1x80x128xf32, #tpu.memory_space<vmem>> -> memref<80x128xf32, #tpu.memory_space<vmem>>
      %dma_wait3A_112 = arith.constant 0 : i32
      %dma_wait3A_113 = tpu.memref_slice %arg8[%add3A_21, %dma_wait3A_112] : memref<10240x128xf32, #tpu.memory_space<vmem_shared>> -> memref<80x128xf32, #tpu.memory_space<vmem_shared>>
      %dma_wait3A_114 = arith.constant 0 : i32
      %dma_wait3A_115 = tpu.memref_slice %arg8[%add3A_21, %dma_wait3A_114] : memref<10240x128xf32, #tpu.memory_space<vmem_shared>> -> memref<80x128xf32, #tpu.memory_space<vmem_shared>>
      %dma_wait3A_116 = arith.constant 0 : i32
      %dma_wait3A_117 = arith.constant 0 : i32
      %dma_wait3A_118 = tpu.memref_slice %arg7[%run_scoped3A_22, %dma_wait3A_116, %dma_wait3A_117] : memref<2x80x128xf32, #tpu.memory_space<vmem>> -> memref<1x80x128xf32, #tpu.memory_space<vmem>>
      %dma_wait3A_119 = tpu.memref_squeeze %dma_wait3A_118 : memref<1x80x128xf32, #tpu.memory_space<vmem>> -> memref<80x128xf32, #tpu.memory_space<vmem>>
      tpu.wait_dma2 semaphore(%run_scoped3A_95 : memref<!tpu.dma_semaphore, #tpu.memory_space<semaphore_mem>>) src(%dma_wait3A_119 : memref<80x128xf32, #tpu.memory_space<vmem>>) dst(%dma_wait3A_115 : memref<80x128xf32, #tpu.memory_space<vmem_shared>>)
      tpu.yield
    }) : () -> ()
    %add3A_23 = arith.constant 400 : i32
    %add3A_24 = arith.addi %mul3A_8, %add3A_23 : i32
    %run_scoped3A_25 = arith.constant 0 : i32
    "tpu.region"() ({
      %run_scoped3A_95 = tpu.sem_alloc : memref<!tpu.dma_semaphore, #tpu.memory_space<semaphore_mem>>
      %dma_start3A_96 = arith.constant 0 : i32
      %dma_start3A_97 = arith.constant 0 : i32
      %dma_start3A_98 = tpu.memref_slice %arg7[%run_scoped3A_25, %dma_start3A_96, %dma_start3A_97] : memref<2x80x128xf32, #tpu.memory_space<vmem>> -> memref<1x80x128xf32, #tpu.memory_space<vmem>>
      %dma_start3A_99 = tpu.memref_squeeze %dma_start3A_98 : memref<1x80x128xf32, #tpu.memory_space<vmem>> -> memref<80x128xf32, #tpu.memory_space<vmem>>
      %dma_start3A_100 = arith.constant 0 : i32
      %dma_start3A_101 = tpu.memref_slice %arg8[%add3A_24, %dma_start3A_100] : memref<10240x128xf32, #tpu.memory_space<vmem_shared>> -> memref<80x128xf32, #tpu.memory_space<vmem_shared>>
      %dma_start3A_102 = arith.constant 0 : i32
      %dma_start3A_103 = tpu.memref_slice %arg8[%add3A_24, %dma_start3A_102] : memref<10240x128xf32, #tpu.memory_space<vmem_shared>> -> memref<80x128xf32, #tpu.memory_space<vmem_shared>>
      %dma_start3A_104 = arith.constant 0 : i32
      %dma_start3A_105 = arith.constant 0 : i32
      %dma_start3A_106 = tpu.memref_slice %arg7[%run_scoped3A_25, %dma_start3A_104, %dma_start3A_105] : memref<2x80x128xf32, #tpu.memory_space<vmem>> -> memref<1x80x128xf32, #tpu.memory_space<vmem>>
      %dma_start3A_107 = tpu.memref_squeeze %dma_start3A_106 : memref<1x80x128xf32, #tpu.memory_space<vmem>> -> memref<80x128xf32, #tpu.memory_space<vmem>>
      tpu.enqueue_dma source(%dma_start3A_107 : memref<80x128xf32, #tpu.memory_space<vmem>>) target(%dma_start3A_103 : memref<80x128xf32, #tpu.memory_space<vmem_shared>>) target_semaphore(%run_scoped3A_95 : memref<!tpu.dma_semaphore, #tpu.memory_space<semaphore_mem>>)
      %dma_wait3A_108 = arith.constant 0 : i32
      %dma_wait3A_109 = arith.constant 0 : i32
      %dma_wait3A_110 = tpu.memref_slice %arg7[%run_scoped3A_25, %dma_wait3A_108, %dma_wait3A_109] : memref<2x80x128xf32, #tpu.memory_space<vmem>> -> memref<1x80x128xf32, #tpu.memory_space<vmem>>
      %dma_wait3A_111 = tpu.memref_squeeze %dma_wait3A_110 : memref<1x80x128xf32, #tpu.memory_space<vmem>> -> memref<80x128xf32, #tpu.memory_space<vmem>>
      %dma_wait3A_112 = arith.constant 0 : i32
      %dma_wait3A_113 = tpu.memref_slice %arg8[%add3A_24, %dma_wait3A_112] : memref<10240x128xf32, #tpu.memory_space<vmem_shared>> -> memref<80x128xf32, #tpu.memory_space<vmem_shared>>
      %dma_wait3A_114 = arith.constant 0 : i32
      %dma_wait3A_115 = tpu.memref_slice %arg8[%add3A_24, %dma_wait3A_114] : memref<10240x128xf32, #tpu.memory_space<vmem_shared>> -> memref<80x128xf32, #tpu.memory_space<vmem_shared>>
      %dma_wait3A_116 = arith.constant 0 : i32
      %dma_wait3A_117 = arith.constant 0 : i32
      %dma_wait3A_118 = tpu.memref_slice %arg7[%run_scoped3A_25, %dma_wait3A_116, %dma_wait3A_117] : memref<2x80x128xf32, #tpu.memory_space<vmem>> -> memref<1x80x128xf32, #tpu.memory_space<vmem>>
      %dma_wait3A_119 = tpu.memref_squeeze %dma_wait3A_118 : memref<1x80x128xf32, #tpu.memory_space<vmem>> -> memref<80x128xf32, #tpu.memory_space<vmem>>
      tpu.wait_dma2 semaphore(%run_scoped3A_95 : memref<!tpu.dma_semaphore, #tpu.memory_space<semaphore_mem>>) src(%dma_wait3A_119 : memref<80x128xf32, #tpu.memory_space<vmem>>) dst(%dma_wait3A_115 : memref<80x128xf32, #tpu.memory_space<vmem_shared>>)
      tpu.yield
    }) : () -> ()
    %add3A_26 = arith.constant 480 : i32
    %add3A_27 = arith.addi %mul3A_8, %add3A_26 : i32
    %run_scoped3A_28 = arith.constant 0 : i32
    "tpu.region"() ({
      %run_scoped3A_95 = tpu.sem_alloc : memref<!tpu.dma_semaphore, #tpu.memory_space<semaphore_mem>>
      %dma_start3A_96 = arith.constant 0 : i32
      %dma_start3A_97 = arith.constant 0 : i32
      %dma_start3A_98 = tpu.memref_slice %arg7[%run_scoped3A_28, %dma_start3A_96, %dma_start3A_97] : memref<2x80x128xf32, #tpu.memory_space<vmem>> -> memref<1x80x128xf32, #tpu.memory_space<vmem>>
      %dma_start3A_99 = tpu.memref_squeeze %dma_start3A_98 : memref<1x80x128xf32, #tpu.memory_space<vmem>> -> memref<80x128xf32, #tpu.memory_space<vmem>>
      %dma_start3A_100 = arith.constant 0 : i32
      %dma_start3A_101 = tpu.memref_slice %arg8[%add3A_27, %dma_start3A_100] : memref<10240x128xf32, #tpu.memory_space<vmem_shared>> -> memref<80x128xf32, #tpu.memory_space<vmem_shared>>
      %dma_start3A_102 = arith.constant 0 : i32
      %dma_start3A_103 = tpu.memref_slice %arg8[%add3A_27, %dma_start3A_102] : memref<10240x128xf32, #tpu.memory_space<vmem_shared>> -> memref<80x128xf32, #tpu.memory_space<vmem_shared>>
      %dma_start3A_104 = arith.constant 0 : i32
      %dma_start3A_105 = arith.constant 0 : i32
      %dma_start3A_106 = tpu.memref_slice %arg7[%run_scoped3A_28, %dma_start3A_104, %dma_start3A_105] : memref<2x80x128xf32, #tpu.memory_space<vmem>> -> memref<1x80x128xf32, #tpu.memory_space<vmem>>
      %dma_start3A_107 = tpu.memref_squeeze %dma_start3A_106 : memref<1x80x128xf32, #tpu.memory_space<vmem>> -> memref<80x128xf32, #tpu.memory_space<vmem>>
      tpu.enqueue_dma source(%dma_start3A_107 : memref<80x128xf32, #tpu.memory_space<vmem>>) target(%dma_start3A_103 : memref<80x128xf32, #tpu.memory_space<vmem_shared>>) target_semaphore(%run_scoped3A_95 : memref<!tpu.dma_semaphore, #tpu.memory_space<semaphore_mem>>)
      %dma_wait3A_108 = arith.constant 0 : i32
      %dma_wait3A_109 = arith.constant 0 : i32
      %dma_wait3A_110 = tpu.memref_slice %arg7[%run_scoped3A_28, %dma_wait3A_108, %dma_wait3A_109] : memref<2x80x128xf32, #tpu.memory_space<vmem>> -> memref<1x80x128xf32, #tpu.memory_space<vmem>>
      %dma_wait3A_111 = tpu.memref_squeeze %dma_wait3A_110 : memref<1x80x128xf32, #tpu.memory_space<vmem>> -> memref<80x128xf32, #tpu.memory_space<vmem>>
      %dma_wait3A_112 = arith.constant 0 : i32
      %dma_wait3A_113 = tpu.memref_slice %arg8[%add3A_27, %dma_wait3A_112] : memref<10240x128xf32, #tpu.memory_space<vmem_shared>> -> memref<80x128xf32, #tpu.memory_space<vmem_shared>>
      %dma_wait3A_114 = arith.constant 0 : i32
      %dma_wait3A_115 = tpu.memref_slice %arg8[%add3A_27, %dma_wait3A_114] : memref<10240x128xf32, #tpu.memory_space<vmem_shared>> -> memref<80x128xf32, #tpu.memory_space<vmem_shared>>
      %dma_wait3A_116 = arith.constant 0 : i32
      %dma_wait3A_117 = arith.constant 0 : i32
      %dma_wait3A_118 = tpu.memref_slice %arg7[%run_scoped3A_28, %dma_wait3A_116, %dma_wait3A_117] : memref<2x80x128xf32, #tpu.memory_space<vmem>> -> memref<1x80x128xf32, #tpu.memory_space<vmem>>
      %dma_wait3A_119 = tpu.memref_squeeze %dma_wait3A_118 : memref<1x80x128xf32, #tpu.memory_space<vmem>> -> memref<80x128xf32, #tpu.memory_space<vmem>>
      tpu.wait_dma2 semaphore(%run_scoped3A_95 : memref<!tpu.dma_semaphore, #tpu.memory_space<semaphore_mem>>) src(%dma_wait3A_119 : memref<80x128xf32, #tpu.memory_space<vmem>>) dst(%dma_wait3A_115 : memref<80x128xf32, #tpu.memory_space<vmem_shared>>)
      tpu.yield
    }) : () -> ()
    %add3A_29 = arith.constant 560 : i32
    %add3A_30 = arith.addi %mul3A_8, %add3A_29 : i32
    %run_scoped3A_31 = arith.constant 0 : i32
    "tpu.region"() ({
      %run_scoped3A_95 = tpu.sem_alloc : memref<!tpu.dma_semaphore, #tpu.memory_space<semaphore_mem>>
      %dma_start3A_96 = arith.constant 0 : i32
      %dma_start3A_97 = arith.constant 0 : i32
      %dma_start3A_98 = tpu.memref_slice %arg7[%run_scoped3A_31, %dma_start3A_96, %dma_start3A_97] : memref<2x80x128xf32, #tpu.memory_space<vmem>> -> memref<1x80x128xf32, #tpu.memory_space<vmem>>
      %dma_start3A_99 = tpu.memref_squeeze %dma_start3A_98 : memref<1x80x128xf32, #tpu.memory_space<vmem>> -> memref<80x128xf32, #tpu.memory_space<vmem>>
      %dma_start3A_100 = arith.constant 0 : i32
      %dma_start3A_101 = tpu.memref_slice %arg8[%add3A_30, %dma_start3A_100] : memref<10240x128xf32, #tpu.memory_space<vmem_shared>> -> memref<80x128xf32, #tpu.memory_space<vmem_shared>>
      %dma_start3A_102 = arith.constant 0 : i32
      %dma_start3A_103 = tpu.memref_slice %arg8[%add3A_30, %dma_start3A_102] : memref<10240x128xf32, #tpu.memory_space<vmem_shared>> -> memref<80x128xf32, #tpu.memory_space<vmem_shared>>
      %dma_start3A_104 = arith.constant 0 : i32
      %dma_start3A_105 = arith.constant 0 : i32
      %dma_start3A_106 = tpu.memref_slice %arg7[%run_scoped3A_31, %dma_start3A_104, %dma_start3A_105] : memref<2x80x128xf32, #tpu.memory_space<vmem>> -> memref<1x80x128xf32, #tpu.memory_space<vmem>>
      %dma_start3A_107 = tpu.memref_squeeze %dma_start3A_106 : memref<1x80x128xf32, #tpu.memory_space<vmem>> -> memref<80x128xf32, #tpu.memory_space<vmem>>
      tpu.enqueue_dma source(%dma_start3A_107 : memref<80x128xf32, #tpu.memory_space<vmem>>) target(%dma_start3A_103 : memref<80x128xf32, #tpu.memory_space<vmem_shared>>) target_semaphore(%run_scoped3A_95 : memref<!tpu.dma_semaphore, #tpu.memory_space<semaphore_mem>>)
      %dma_wait3A_108 = arith.constant 0 : i32
      %dma_wait3A_109 = arith.constant 0 : i32
      %dma_wait3A_110 = tpu.memref_slice %arg7[%run_scoped3A_31, %dma_wait3A_108, %dma_wait3A_109] : memref<2x80x128xf32, #tpu.memory_space<vmem>> -> memref<1x80x128xf32, #tpu.memory_space<vmem>>
      %dma_wait3A_111 = tpu.memref_squeeze %dma_wait3A_110 : memref<1x80x128xf32, #tpu.memory_space<vmem>> -> memref<80x128xf32, #tpu.memory_space<vmem>>
      %dma_wait3A_112 = arith.constant 0 : i32
      %dma_wait3A_113 = tpu.memref_slice %arg8[%add3A_30, %dma_wait3A_112] : memref<10240x128xf32, #tpu.memory_space<vmem_shared>> -> memref<80x128xf32, #tpu.memory_space<vmem_shared>>
      %dma_wait3A_114 = arith.constant 0 : i32
      %dma_wait3A_115 = tpu.memref_slice %arg8[%add3A_30, %dma_wait3A_114] : memref<10240x128xf32, #tpu.memory_space<vmem_shared>> -> memref<80x128xf32, #tpu.memory_space<vmem_shared>>
      %dma_wait3A_116 = arith.constant 0 : i32
      %dma_wait3A_117 = arith.constant 0 : i32
      %dma_wait3A_118 = tpu.memref_slice %arg7[%run_scoped3A_31, %dma_wait3A_116, %dma_wait3A_117] : memref<2x80x128xf32, #tpu.memory_space<vmem>> -> memref<1x80x128xf32, #tpu.memory_space<vmem>>
      %dma_wait3A_119 = tpu.memref_squeeze %dma_wait3A_118 : memref<1x80x128xf32, #tpu.memory_space<vmem>> -> memref<80x128xf32, #tpu.memory_space<vmem>>
      tpu.wait_dma2 semaphore(%run_scoped3A_95 : memref<!tpu.dma_semaphore, #tpu.memory_space<semaphore_mem>>) src(%dma_wait3A_119 : memref<80x128xf32, #tpu.memory_space<vmem>>) dst(%dma_wait3A_115 : memref<80x128xf32, #tpu.memory_space<vmem_shared>>)
      tpu.yield
    }) : () -> ()
    %mul3A_32 = arith.constant 10000 : i32
    %mul3A_33 = arith.muli %add3A, %mul3A_32 : i32
    "tpu.region"() ({
      %run_scoped3A_95 = tpu.sem_alloc : memref<!tpu.dma_semaphore, #tpu.memory_space<semaphore_mem>>
      %dma_start3A_96 = tpu.memref_slice %arg3[%mul3A_33] : memref<640000xi32, #tpu.memory_space<hbm>> -> memref<10000xi32, #tpu.memory_space<hbm>>
      %dma_start3A_97 = tpu.memref_slice %arg3[%mul3A_33] : memref<640000xi32, #tpu.memory_space<hbm>> -> memref<10000xi32, #tpu.memory_space<hbm>>
      tpu.enqueue_dma source(%dma_start3A_97 : memref<10000xi32, #tpu.memory_space<hbm>>) target(%arg5 : memref<10000xi32, #tpu.memory_space<vmem>>) target_semaphore(%run_scoped3A_95 : memref<!tpu.dma_semaphore, #tpu.memory_space<semaphore_mem>>)
      %dma_wait3A_98 = tpu.memref_slice %arg3[%mul3A_33] : memref<640000xi32, #tpu.memory_space<hbm>> -> memref<10000xi32, #tpu.memory_space<hbm>>
      %dma_wait3A_99 = tpu.memref_slice %arg3[%mul3A_33] : memref<640000xi32, #tpu.memory_space<hbm>> -> memref<10000xi32, #tpu.memory_space<hbm>>
      tpu.wait_dma2 semaphore(%run_scoped3A_95 : memref<!tpu.dma_semaphore, #tpu.memory_space<semaphore_mem>>) src(%dma_wait3A_99 : memref<10000xi32, #tpu.memory_space<hbm>>) dst(%arg5 : memref<10000xi32, #tpu.memory_space<vmem>>)
      tpu.yield
    }) : () -> ()
    %barrier3A = arith.constant 0 : index
    tpu.barrier barrier_id(%barrier3A)
    %add3A_34 = arith.constant 320000 : i32
    %add3A_35 = arith.addi %add3A_34, %mul3A_33 : i32
    %run_scoped3A_36 = arith.constant 0 : i32
    "tpu.region"() ({
      %run_scoped3A_95 = tpu.sem_alloc : memref<!tpu.dma_semaphore, #tpu.memory_space<semaphore_mem>>
      %dma_start3A_96 = arith.constant 0 : i32
      %dma_start3A_97 = tpu.memref_slice %arg6[%run_scoped3A_36, %dma_start3A_96] : memref<2x80xi32, #tpu.memory_space<vmem>> -> memref<1x80xi32, #tpu.memory_space<vmem>>
      %dma_start3A_98 = tpu.memref_squeeze %dma_start3A_97 : memref<1x80xi32, #tpu.memory_space<vmem>> -> memref<80xi32, #tpu.memory_space<vmem>>
      %dma_start3A_99 = tpu.memref_slice %arg3[%add3A_35] : memref<640000xi32, #tpu.memory_space<hbm>> -> memref<80xi32, #tpu.memory_space<hbm>>
      %dma_start3A_100 = arith.constant 0 : i32
      %dma_start3A_101 = tpu.memref_slice %arg6[%run_scoped3A_36, %dma_start3A_100] : memref<2x80xi32, #tpu.memory_space<vmem>> -> memref<1x80xi32, #tpu.memory_space<vmem>>
      %dma_start3A_102 = tpu.memref_squeeze %dma_start3A_101 : memref<1x80xi32, #tpu.memory_space<vmem>> -> memref<80xi32, #tpu.memory_space<vmem>>
      %dma_start3A_103 = tpu.memref_slice %arg3[%add3A_35] : memref<640000xi32, #tpu.memory_space<hbm>> -> memref<80xi32, #tpu.memory_space<hbm>>
      tpu.enqueue_dma source(%dma_start3A_103 : memref<80xi32, #tpu.memory_space<hbm>>) target(%dma_start3A_102 : memref<80xi32, #tpu.memory_space<vmem>>) target_semaphore(%run_scoped3A_95 : memref<!tpu.dma_semaphore, #tpu.memory_space<semaphore_mem>>)
      %dma_wait3A_104 = arith.constant 0 : i32
      %dma_wait3A_105 = tpu.memref_slice %arg6[%run_scoped3A_36, %dma_wait3A_104] : memref<2x80xi32, #tpu.memory_space<vmem>> -> memref<1x80xi32, #tpu.memory_space<vmem>>
      %dma_wait3A_106 = tpu.memref_squeeze %dma_wait3A_105 : memref<1x80xi32, #tpu.memory_space<vmem>> -> memref<80xi32, #tpu.memory_space<vmem>>
      %dma_wait3A_107 = tpu.memref_slice %arg3[%add3A_35] : memref<640000xi32, #tpu.memory_space<hbm>> -> memref<80xi32, #tpu.memory_space<hbm>>
      %dma_wait3A_108 = arith.constant 0 : i32
      %dma_wait3A_109 = tpu.memref_slice %arg6[%run_scoped3A_36, %dma_wait3A_108] : memref<2x80xi32, #tpu.memory_space<vmem>> -> memref<1x80xi32, #tpu.memory_space<vmem>>
      %dma_wait3A_110 = tpu.memref_squeeze %dma_wait3A_109 : memref<1x80xi32, #tpu.memory_space<vmem>> -> memref<80xi32, #tpu.memory_space<vmem>>
      %dma_wait3A_111 = tpu.memref_slice %arg3[%add3A_35] : memref<640000xi32, #tpu.memory_space<hbm>> -> memref<80xi32, #tpu.memory_space<hbm>>
      tpu.wait_dma2 semaphore(%run_scoped3A_95 : memref<!tpu.dma_semaphore, #tpu.memory_space<semaphore_mem>>) src(%dma_wait3A_111 : memref<80xi32, #tpu.memory_space<hbm>>) dst(%dma_wait3A_110 : memref<80xi32, #tpu.memory_space<vmem>>)
      tpu.yield
    }) : () -> ()
    %add3A_37 = arith.constant 320000 : i32
    %add3A_38 = arith.addi %add3A_37, %mul3A_33 : i32
    %add3A_39 = arith.constant 80 : i32
    %add3A_40 = arith.addi %add3A_38, %add3A_39 : i32
    %run_scoped3A_41 = arith.constant 1 : i32
    "tpu.region"() ({
      %run_scoped3A_95 = tpu.sem_alloc : memref<!tpu.dma_semaphore, #tpu.memory_space<semaphore_mem>>
      %dma_start3A_96 = arith.constant 0 : i32
      %dma_start3A_97 = tpu.memref_slice %arg6[%run_scoped3A_41, %dma_start3A_96] : memref<2x80xi32, #tpu.memory_space<vmem>> -> memref<1x80xi32, #tpu.memory_space<vmem>>
      %dma_start3A_98 = tpu.memref_squeeze %dma_start3A_97 : memref<1x80xi32, #tpu.memory_space<vmem>> -> memref<80xi32, #tpu.memory_space<vmem>>
      %dma_start3A_99 = tpu.memref_slice %arg3[%add3A_40] : memref<640000xi32, #tpu.memory_space<hbm>> -> memref<80xi32, #tpu.memory_space<hbm>>
      %dma_start3A_100 = arith.constant 0 : i32
      %dma_start3A_101 = tpu.memref_slice %arg6[%run_scoped3A_41, %dma_start3A_100] : memref<2x80xi32, #tpu.memory_space<vmem>> -> memref<1x80xi32, #tpu.memory_space<vmem>>
      %dma_start3A_102 = tpu.memref_squeeze %dma_start3A_101 : memref<1x80xi32, #tpu.memory_space<vmem>> -> memref<80xi32, #tpu.memory_space<vmem>>
      %dma_start3A_103 = tpu.memref_slice %arg3[%add3A_40] : memref<640000xi32, #tpu.memory_space<hbm>> -> memref<80xi32, #tpu.memory_space<hbm>>
      tpu.enqueue_dma source(%dma_start3A_103 : memref<80xi32, #tpu.memory_space<hbm>>) target(%dma_start3A_102 : memref<80xi32, #tpu.memory_space<vmem>>) target_semaphore(%run_scoped3A_95 : memref<!tpu.dma_semaphore, #tpu.memory_space<semaphore_mem>>)
      %dma_wait3A_104 = arith.constant 0 : i32
      %dma_wait3A_105 = tpu.memref_slice %arg6[%run_scoped3A_41, %dma_wait3A_104] : memref<2x80xi32, #tpu.memory_space<vmem>> -> memref<1x80xi32, #tpu.memory_space<vmem>>
      %dma_wait3A_106 = tpu.memref_squeeze %dma_wait3A_105 : memref<1x80xi32, #tpu.memory_space<vmem>> -> memref<80xi32, #tpu.memory_space<vmem>>
      %dma_wait3A_107 = tpu.memref_slice %arg3[%add3A_40] : memref<640000xi32, #tpu.memory_space<hbm>> -> memref<80xi32, #tpu.memory_space<hbm>>
      %dma_wait3A_108 = arith.constant 0 : i32
      %dma_wait3A_109 = tpu.memref_slice %arg6[%run_scoped3A_41, %dma_wait3A_108] : memref<2x80xi32, #tpu.memory_space<vmem>> -> memref<1x80xi32, #tpu.memory_space<vmem>>
      %dma_wait3A_110 = tpu.memref_squeeze %dma_wait3A_109 : memref<1x80xi32, #tpu.memory_space<vmem>> -> memref<80xi32, #tpu.memory_space<vmem>>
      %dma_wait3A_111 = tpu.memref_slice %arg3[%add3A_40] : memref<640000xi32, #tpu.memory_space<hbm>> -> memref<80xi32, #tpu.memory_space<hbm>>
      tpu.wait_dma2 semaphore(%run_scoped3A_95 : memref<!tpu.dma_semaphore, #tpu.memory_space<semaphore_mem>>) src(%dma_wait3A_111 : memref<80xi32, #tpu.memory_space<hbm>>) dst(%dma_wait3A_110 : memref<80xi32, #tpu.memory_space<vmem>>)
      tpu.yield
    }) : () -> ()
    %dma_start3A = arith.constant 0 : i32
    %dma_start3A_42 = arith.constant 0 : i32
    %dma_start3A_43 = arith.constant 0 : i32
    %dma_start3A_44 = tpu.memref_slice %arg7[%dma_start3A, %dma_start3A_42, %dma_start3A_43] : memref<2x80x128xf32, #tpu.memory_space<vmem>> -> memref<1x80x128xf32, #tpu.memory_space<vmem>>
    %dma_start3A_45 = tpu.memref_squeeze %dma_start3A_44 : memref<1x80x128xf32, #tpu.memory_space<vmem>> -> memref<80x128xf32, #tpu.memory_space<vmem>>
    %dma_start3A_46 = arith.constant 0 : i32
    %dma_start3A_47 = tpu.memref_slice %arg5[%dma_start3A_46] : memref<10000xi32, #tpu.memory_space<vmem>> -> memref<80xi32, #tpu.memory_space<vmem>>
    %dma_start3A_48 = arith.constant 0 : i32
    %dma_start3A_49 = arith.constant 0 : i32
    %dma_start3A_50 = tpu.memref_slice %arg2[%dma_start3A_48, %dma_start3A_49] : memref<10000x128xf32, #tpu.memory_space<hbm>> -> memref<10000x128xf32, #tpu.memory_space<hbm>>
    tpu.enqueue_indirect_dma source(%dma_start3A_50 : memref<10000x128xf32, #tpu.memory_space<hbm>>) target(%dma_start3A_45 : memref<80x128xf32, #tpu.memory_space<vmem>>) offsets(%dma_start3A_47 : memref<80xi32, #tpu.memory_space<vmem>>) semaphore(%arg9 : memref<!tpu.dma_semaphore, #tpu.memory_space<semaphore_mem>>)
    %dma_start3A_51 = arith.constant 1 : i32
    %dma_start3A_52 = arith.constant 0 : i32
    %dma_start3A_53 = arith.constant 0 : i32
    %dma_start3A_54 = tpu.memref_slice %arg7[%dma_start3A_51, %dma_start3A_52, %dma_start3A_53] : memref<2x80x128xf32, #tpu.memory_space<vmem>> -> memref<1x80x128xf32, #tpu.memory_space<vmem>>
    %dma_start3A_55 = tpu.memref_squeeze %dma_start3A_54 : memref<1x80x128xf32, #tpu.memory_space<vmem>> -> memref<80x128xf32, #tpu.memory_space<vmem>>
    %dma_start3A_56 = arith.constant 80 : i32
    %dma_start3A_57 = tpu.memref_slice %arg5[%dma_start3A_56] : memref<10000xi32, #tpu.memory_space<vmem>> -> memref<80xi32, #tpu.memory_space<vmem>>
    %dma_start3A_58 = arith.constant 0 : i32
    %dma_start3A_59 = arith.constant 0 : i32
    %dma_start3A_60 = tpu.memref_slice %arg2[%dma_start3A_58, %dma_start3A_59] : memref<10000x128xf32, #tpu.memory_space<hbm>> -> memref<10000x128xf32, #tpu.memory_space<hbm>>
    tpu.enqueue_indirect_dma source(%dma_start3A_60 : memref<10000x128xf32, #tpu.memory_space<hbm>>) target(%dma_start3A_55 : memref<80x128xf32, #tpu.memory_space<vmem>>) offsets(%dma_start3A_57 : memref<80xi32, #tpu.memory_space<vmem>>) semaphore(%arg10 : memref<!tpu.dma_semaphore, #tpu.memory_space<semaphore_mem>>)
    %scan3A_61 = arith.constant 0 : i32
    %scan3A_62 = arith.constant 0 : i32
    %scan3A_63 = arith.constant 1 : i32
    %scan3A_64 = arith.constant 0 : i32
    %scan3A_65 = arith.constant 62 : i32
    %scan3A_66 = arith.addi %scan3A_64, %scan3A_65 : i32
    %scan3A_67 = arith.constant 1 : i32
    scf.for %scan3A_95 = %scan3A_64 to %scan3A_66 step %scan3A_67  : i32 {
      %mul3A_96 = arith.constant 2 : i32
      %mul3A_97 = arith.muli %mul3A_96, %scan3A_95 : i32
      %mul3A_98 = arith.constant 80 : i32
      %mul3A_99 = arith.muli %mul3A_97, %mul3A_98 : i32
      %dma_wait3A_100 = arith.constant 0 : i32
      %dma_wait3A_101 = arith.constant 0 : i32
      %dma_wait3A_102 = tpu.memref_slice %arg7[%scan3A_62, %dma_wait3A_100, %dma_wait3A_101] : memref<2x80x128xf32, #tpu.memory_space<vmem>> -> memref<1x80x128xf32, #tpu.memory_space<vmem>>
      %dma_wait3A_103 = tpu.memref_squeeze %dma_wait3A_102 : memref<1x80x128xf32, #tpu.memory_space<vmem>> -> memref<80x128xf32, #tpu.memory_space<vmem>>
      %dma_wait3A_104 = tpu.memref_slice %arg5[%mul3A_99] : memref<10000xi32, #tpu.memory_space<vmem>> -> memref<80xi32, #tpu.memory_space<vmem>>
      %dma_wait3A_105 = arith.constant 0 : i32
      %dma_wait3A_106 = arith.constant 0 : i32
      %dma_wait3A_107 = tpu.memref_slice %arg2[%dma_wait3A_105, %dma_wait3A_106] : memref<10000x128xf32, #tpu.memory_space<hbm>> -> memref<10000x128xf32, #tpu.memory_space<hbm>>
      tpu.wait_indirect_dma semaphore(%arg9 : memref<!tpu.dma_semaphore, #tpu.memory_space<semaphore_mem>>) src(%dma_wait3A_107 : memref<10000x128xf32, #tpu.memory_space<hbm>>) dst(%dma_wait3A_103 : memref<80x128xf32, #tpu.memory_space<vmem>>)
      %run_scoped3A_108 = arith.constant 0 : i32
      "tpu.region"() ({
        %run_scoped3A_207 = tpu.sem_alloc : memref<!tpu.dma_semaphore, #tpu.memory_space<semaphore_mem>>
        %dma_start3A_208 = arith.constant 0 : i32
        %dma_start3A_209 = arith.constant 0 : i32
        %dma_start3A_210 = tpu.memref_slice %arg7[%scan3A_62, %dma_start3A_208, %dma_start3A_209] : memref<2x80x128xf32, #tpu.memory_space<vmem>> -> memref<1x80x128xf32, #tpu.memory_space<vmem>>
        %dma_start3A_211 = tpu.memref_squeeze %dma_start3A_210 : memref<1x80x128xf32, #tpu.memory_space<vmem>> -> memref<80x128xf32, #tpu.memory_space<vmem>>
        %dma_start3A_212 = arith.constant 0 : i32
        %dma_start3A_213 = tpu.memref_slice %arg6[%run_scoped3A_108, %dma_start3A_212] : memref<2x80xi32, #tpu.memory_space<vmem>> -> memref<1x80xi32, #tpu.memory_space<vmem>>
        %dma_start3A_214 = tpu.memref_squeeze %dma_start3A_213 : memref<1x80xi32, #tpu.memory_space<vmem>> -> memref<80xi32, #tpu.memory_space<vmem>>
        %dma_start3A_215 = arith.constant 0 : i32
        %dma_start3A_216 = arith.constant 0 : i32
        %dma_start3A_217 = tpu.memref_slice %arg8[%dma_start3A_215, %dma_start3A_216] : memref<10240x128xf32, #tpu.memory_space<vmem_shared>> -> memref<10240x128xf32, #tpu.memory_space<vmem_shared>>
        tpu.enqueue_indirect_dma source(%dma_start3A_211 : memref<80x128xf32, #tpu.memory_space<vmem>>) target(%dma_start3A_217 : memref<10240x128xf32, #tpu.memory_space<vmem_shared>>) offsets(%dma_start3A_214 : memref<80xi32, #tpu.memory_space<vmem>>) semaphore(%run_scoped3A_207 : memref<!tpu.dma_semaphore, #tpu.memory_space<semaphore_mem>>) {add = true}
        %dma_wait3A_218 = arith.constant 0 : i32
        %dma_wait3A_219 = arith.constant 0 : i32
        %dma_wait3A_220 = tpu.memref_slice %arg7[%scan3A_62, %dma_wait3A_218, %dma_wait3A_219] : memref<2x80x128xf32, #tpu.memory_space<vmem>> -> memref<1x80x128xf32, #tpu.memory_space<vmem>>
        %dma_wait3A_221 = tpu.memref_squeeze %dma_wait3A_220 : memref<1x80x128xf32, #tpu.memory_space<vmem>> -> memref<80x128xf32, #tpu.memory_space<vmem>>
        %dma_wait3A_222 = arith.constant 0 : i32
        %dma_wait3A_223 = tpu.memref_slice %arg6[%run_scoped3A_108, %dma_wait3A_222] : memref<2x80xi32, #tpu.memory_space<vmem>> -> memref<1x80xi32, #tpu.memory_space<vmem>>
        %dma_wait3A_224 = tpu.memref_squeeze %dma_wait3A_223 : memref<1x80xi32, #tpu.memory_space<vmem>> -> memref<80xi32, #tpu.memory_space<vmem>>
        %dma_wait3A_225 = arith.constant 0 : i32
        %dma_wait3A_226 = arith.constant 0 : i32
        %dma_wait3A_227 = tpu.memref_slice %arg8[%dma_wait3A_225, %dma_wait3A_226] : memref<10240x128xf32, #tpu.memory_space<vmem_shared>> -> memref<10240x128xf32, #tpu.memory_space<vmem_shared>>
        tpu.wait_indirect_dma semaphore(%run_scoped3A_207 : memref<!tpu.dma_semaphore, #tpu.memory_space<semaphore_mem>>) src(%dma_wait3A_221 : memref<80x128xf32, #tpu.memory_space<vmem>>) dst(%dma_wait3A_227 : memref<10240x128xf32, #tpu.memory_space<vmem_shared>>)
        tpu.yield
      }) : () -> ()
      %add3A_109 = arith.constant 2 : i32
      %add3A_110 = arith.addi %mul3A_97, %add3A_109 : i32
      %add3A_111 = arith.constant 320000 : i32
      %add3A_112 = arith.addi %add3A_111, %mul3A_33 : i32
      %mul3A_113 = arith.constant 80 : i32
      %mul3A_114 = arith.muli %add3A_110, %mul3A_113 : i32
      %add3A_115 = arith.addi %add3A_112, %mul3A_114 : i32
      %dma_start3A_116 = arith.constant 0 : i32
      %dma_start3A_117 = arith.constant 0 : i32
      %dma_start3A_118 = tpu.memref_slice %arg6[%dma_start3A_116, %dma_start3A_117] : memref<2x80xi32, #tpu.memory_space<vmem>> -> memref<1x80xi32, #tpu.memory_space<vmem>>
      %dma_start3A_119 = tpu.memref_squeeze %dma_start3A_118 : memref<1x80xi32, #tpu.memory_space<vmem>> -> memref<80xi32, #tpu.memory_space<vmem>>
      %dma_start3A_120 = tpu.memref_slice %arg3[%add3A_115] : memref<640000xi32, #tpu.memory_space<hbm>> -> memref<80xi32, #tpu.memory_space<hbm>>
      %dma_start3A_121 = arith.constant 0 : i32
      %dma_start3A_122 = tpu.memref_slice %arg6[%dma_start3A_116, %dma_start3A_121] : memref<2x80xi32, #tpu.memory_space<vmem>> -> memref<1x80xi32, #tpu.memory_space<vmem>>
      %dma_start3A_123 = tpu.memref_squeeze %dma_start3A_122 : memref<1x80xi32, #tpu.memory_space<vmem>> -> memref<80xi32, #tpu.memory_space<vmem>>
      %dma_start3A_124 = tpu.memref_slice %arg3[%add3A_115] : memref<640000xi32, #tpu.memory_space<hbm>> -> memref<80xi32, #tpu.memory_space<hbm>>
      tpu.enqueue_dma source(%dma_start3A_124 : memref<80xi32, #tpu.memory_space<hbm>>) target(%dma_start3A_123 : memref<80xi32, #tpu.memory_space<vmem>>) target_semaphore(%arg11 : memref<!tpu.dma_semaphore, #tpu.memory_space<semaphore_mem>>)
      %add3A_125 = arith.constant 2 : i32
      %add3A_126 = arith.addi %mul3A_97, %add3A_125 : i32
      %mul3A_127 = arith.constant 80 : i32
      %mul3A_128 = arith.muli %add3A_126, %mul3A_127 : i32
      %dma_start3A_129 = arith.constant 0 : i32
      %dma_start3A_130 = arith.constant 0 : i32
      %dma_start3A_131 = tpu.memref_slice %arg7[%scan3A_62, %dma_start3A_129, %dma_start3A_130] : memref<2x80x128xf32, #tpu.memory_space<vmem>> -> memref<1x80x128xf32, #tpu.memory_space<vmem>>
      %dma_start3A_132 = tpu.memref_squeeze %dma_start3A_131 : memref<1x80x128xf32, #tpu.memory_space<vmem>> -> memref<80x128xf32, #tpu.memory_space<vmem>>
      %dma_start3A_133 = tpu.memref_slice %arg5[%mul3A_128] : memref<10000xi32, #tpu.memory_space<vmem>> -> memref<80xi32, #tpu.memory_space<vmem>>
      %dma_start3A_134 = arith.constant 0 : i32
      %dma_start3A_135 = arith.constant 0 : i32
      %dma_start3A_136 = tpu.memref_slice %arg2[%dma_start3A_134, %dma_start3A_135] : memref<10000x128xf32, #tpu.memory_space<hbm>> -> memref<10000x128xf32, #tpu.memory_space<hbm>>
      tpu.enqueue_indirect_dma source(%dma_start3A_136 : memref<10000x128xf32, #tpu.memory_space<hbm>>) target(%dma_start3A_132 : memref<80x128xf32, #tpu.memory_space<vmem>>) offsets(%dma_start3A_133 : memref<80xi32, #tpu.memory_space<vmem>>) semaphore(%arg9 : memref<!tpu.dma_semaphore, #tpu.memory_space<semaphore_mem>>)
      %add3A_137 = arith.constant 1 : i32
      %add3A_138 = arith.addi %mul3A_97, %add3A_137 : i32
      %mul3A_139 = arith.constant 80 : i32
      %mul3A_140 = arith.muli %add3A_138, %mul3A_139 : i32
      %dma_wait3A_141 = arith.constant 0 : i32
      %dma_wait3A_142 = arith.constant 0 : i32
      %dma_wait3A_143 = tpu.memref_slice %arg7[%scan3A_63, %dma_wait3A_141, %dma_wait3A_142] : memref<2x80x128xf32, #tpu.memory_space<vmem>> -> memref<1x80x128xf32, #tpu.memory_space<vmem>>
      %dma_wait3A_144 = tpu.memref_squeeze %dma_wait3A_143 : memref<1x80x128xf32, #tpu.memory_space<vmem>> -> memref<80x128xf32, #tpu.memory_space<vmem>>
      %dma_wait3A_145 = tpu.memref_slice %arg5[%mul3A_140] : memref<10000xi32, #tpu.memory_space<vmem>> -> memref<80xi32, #tpu.memory_space<vmem>>
      %dma_wait3A_146 = arith.constant 0 : i32
      %dma_wait3A_147 = arith.constant 0 : i32
      %dma_wait3A_148 = tpu.memref_slice %arg2[%dma_wait3A_146, %dma_wait3A_147] : memref<10000x128xf32, #tpu.memory_space<hbm>> -> memref<10000x128xf32, #tpu.memory_space<hbm>>
      tpu.wait_indirect_dma semaphore(%arg10 : memref<!tpu.dma_semaphore, #tpu.memory_space<semaphore_mem>>) src(%dma_wait3A_148 : memref<10000x128xf32, #tpu.memory_space<hbm>>) dst(%dma_wait3A_144 : memref<80x128xf32, #tpu.memory_space<vmem>>)
      %run_scoped3A_149 = arith.constant 1 : i32
      "tpu.region"() ({
        %run_scoped3A_207 = tpu.sem_alloc : memref<!tpu.dma_semaphore, #tpu.memory_space<semaphore_mem>>
        %dma_start3A_208 = arith.constant 0 : i32
        %dma_start3A_209 = arith.constant 0 : i32
        %dma_start3A_210 = tpu.memref_slice %arg7[%scan3A_63, %dma_start3A_208, %dma_start3A_209] : memref<2x80x128xf32, #tpu.memory_space<vmem>> -> memref<1x80x128xf32, #tpu.memory_space<vmem>>
        %dma_start3A_211 = tpu.memref_squeeze %dma_start3A_210 : memref<1x80x128xf32, #tpu.memory_space<vmem>> -> memref<80x128xf32, #tpu.memory_space<vmem>>
        %dma_start3A_212 = arith.constant 0 : i32
        %dma_start3A_213 = tpu.memref_slice %arg6[%run_scoped3A_149, %dma_start3A_212] : memref<2x80xi32, #tpu.memory_space<vmem>> -> memref<1x80xi32, #tpu.memory_space<vmem>>
        %dma_start3A_214 = tpu.memref_squeeze %dma_start3A_213 : memref<1x80xi32, #tpu.memory_space<vmem>> -> memref<80xi32, #tpu.memory_space<vmem>>
        %dma_start3A_215 = arith.constant 0 : i32
        %dma_start3A_216 = arith.constant 0 : i32
        %dma_start3A_217 = tpu.memref_slice %arg8[%dma_start3A_215, %dma_start3A_216] : memref<10240x128xf32, #tpu.memory_space<vmem_shared>> -> memref<10240x128xf32, #tpu.memory_space<vmem_shared>>
        tpu.enqueue_indirect_dma source(%dma_start3A_211 : memref<80x128xf32, #tpu.memory_space<vmem>>) target(%dma_start3A_217 : memref<10240x128xf32, #tpu.memory_space<vmem_shared>>) offsets(%dma_start3A_214 : memref<80xi32, #tpu.memory_space<vmem>>) semaphore(%run_scoped3A_207 : memref<!tpu.dma_semaphore, #tpu.memory_space<semaphore_mem>>) {add = true}
        %dma_wait3A_218 = arith.constant 0 : i32
        %dma_wait3A_219 = arith.constant 0 : i32
        %dma_wait3A_220 = tpu.memref_slice %arg7[%scan3A_63, %dma_wait3A_218, %dma_wait3A_219] : memref<2x80x128xf32, #tpu.memory_space<vmem>> -> memref<1x80x128xf32, #tpu.memory_space<vmem>>
        %dma_wait3A_221 = tpu.memref_squeeze %dma_wait3A_220 : memref<1x80x128xf32, #tpu.memory_space<vmem>> -> memref<80x128xf32, #tpu.memory_space<vmem>>
        %dma_wait3A_222 = arith.constant 0 : i32
        %dma_wait3A_223 = tpu.memref_slice %arg6[%run_scoped3A_149, %dma_wait3A_222] : memref<2x80xi32, #tpu.memory_space<vmem>> -> memref<1x80xi32, #tpu.memory_space<vmem>>
        %dma_wait3A_224 = tpu.memref_squeeze %dma_wait3A_223 : memref<1x80xi32, #tpu.memory_space<vmem>> -> memref<80xi32, #tpu.memory_space<vmem>>
        %dma_wait3A_225 = arith.constant 0 : i32
        %dma_wait3A_226 = arith.constant 0 : i32
        %dma_wait3A_227 = tpu.memref_slice %arg8[%dma_wait3A_225, %dma_wait3A_226] : memref<10240x128xf32, #tpu.memory_space<vmem_shared>> -> memref<10240x128xf32, #tpu.memory_space<vmem_shared>>
        tpu.wait_indirect_dma semaphore(%run_scoped3A_207 : memref<!tpu.dma_semaphore, #tpu.memory_space<semaphore_mem>>) src(%dma_wait3A_221 : memref<80x128xf32, #tpu.memory_space<vmem>>) dst(%dma_wait3A_227 : memref<10240x128xf32, #tpu.memory_space<vmem_shared>>)
        tpu.yield
      }) : () -> ()
      %add3A_150 = arith.constant 3 : i32
      %add3A_151 = arith.addi %mul3A_97, %add3A_150 : i32
      %min3A = arith.constant 124 : i32
      %min3A_152 = arith.minsi %add3A_151, %min3A : i32
      %add3A_153 = arith.constant 320000 : i32
      %add3A_154 = arith.addi %add3A_153, %mul3A_33 : i32
      %mul3A_155 = arith.constant 80 : i32
      %mul3A_156 = arith.muli %min3A_152, %mul3A_155 : i32
      %add3A_157 = arith.addi %add3A_154, %mul3A_156 : i32
      %dma_start3A_158 = arith.constant 1 : i32
      %dma_start3A_159 = arith.constant 0 : i32
      %dma_start3A_160 = tpu.memref_slice %arg6[%dma_start3A_158, %dma_start3A_159] : memref<2x80xi32, #tpu.memory_space<vmem>> -> memref<1x80xi32, #tpu.memory_space<vmem>>
      %dma_start3A_161 = tpu.memref_squeeze %dma_start3A_160 : memref<1x80xi32, #tpu.memory_space<vmem>> -> memref<80xi32, #tpu.memory_space<vmem>>
      %dma_start3A_162 = tpu.memref_slice %arg3[%add3A_157] : memref<640000xi32, #tpu.memory_space<hbm>> -> memref<80xi32, #tpu.memory_space<hbm>>
      %dma_start3A_163 = arith.constant 0 : i32
      %dma_start3A_164 = tpu.memref_slice %arg6[%dma_start3A_158, %dma_start3A_163] : memref<2x80xi32, #tpu.memory_space<vmem>> -> memref<1x80xi32, #tpu.memory_space<vmem>>
      %dma_start3A_165 = tpu.memref_squeeze %dma_start3A_164 : memref<1x80xi32, #tpu.memory_space<vmem>> -> memref<80xi32, #tpu.memory_space<vmem>>
      %dma_start3A_166 = tpu.memref_slice %arg3[%add3A_157] : memref<640000xi32, #tpu.memory_space<hbm>> -> memref<80xi32, #tpu.memory_space<hbm>>
      tpu.enqueue_dma source(%dma_start3A_166 : memref<80xi32, #tpu.memory_space<hbm>>) target(%dma_start3A_165 : memref<80xi32, #tpu.memory_space<vmem>>) target_semaphore(%arg12 : memref<!tpu.dma_semaphore, #tpu.memory_space<semaphore_mem>>)
      %mul3A_167 = arith.constant 80 : i32
      %mul3A_168 = arith.muli %min3A_152, %mul3A_167 : i32
      %dma_start3A_169 = arith.constant 0 : i32
      %dma_start3A_170 = arith.constant 0 : i32
      %dma_start3A_171 = tpu.memref_slice %arg7[%scan3A_63, %dma_start3A_169, %dma_start3A_170] : memref<2x80x128xf32, #tpu.memory_space<vmem>> -> memref<1x80x128xf32, #tpu.memory_space<vmem>>
      %dma_start3A_172 = tpu.memref_squeeze %dma_start3A_171 : memref<1x80x128xf32, #tpu.memory_space<vmem>> -> memref<80x128xf32, #tpu.memory_space<vmem>>
      %dma_start3A_173 = tpu.memref_slice %arg5[%mul3A_168] : memref<10000xi32, #tpu.memory_space<vmem>> -> memref<80xi32, #tpu.memory_space<vmem>>
      %dma_start3A_174 = arith.constant 0 : i32
      %dma_start3A_175 = arith.constant 0 : i32
      %dma_start3A_176 = tpu.memref_slice %arg2[%dma_start3A_174, %dma_start3A_175] : memref<10000x128xf32, #tpu.memory_space<hbm>> -> memref<10000x128xf32, #tpu.memory_space<hbm>>
      tpu.enqueue_indirect_dma source(%dma_start3A_176 : memref<10000x128xf32, #tpu.memory_space<hbm>>) target(%dma_start3A_172 : memref<80x128xf32, #tpu.memory_space<vmem>>) offsets(%dma_start3A_173 : memref<80xi32, #tpu.memory_space<vmem>>) semaphore(%arg10 : memref<!tpu.dma_semaphore, #tpu.memory_space<semaphore_mem>>)
      %add3A_177 = arith.constant 2 : i32
      %add3A_178 = arith.addi %mul3A_97, %add3A_177 : i32
      %add3A_179 = arith.constant 320000 : i32
      %add3A_180 = arith.addi %add3A_179, %mul3A_33 : i32
      %mul3A_181 = arith.constant 80 : i32
      %mul3A_182 = arith.muli %add3A_178, %mul3A_181 : i32
      %add3A_183 = arith.addi %add3A_180, %mul3A_182 : i32
      %dma_wait3A_184 = arith.constant 0 : i32
      %dma_wait3A_185 = arith.constant 0 : i32
      %dma_wait3A_186 = tpu.memref_slice %arg6[%dma_wait3A_184, %dma_wait3A_185] : memref<2x80xi32, #tpu.memory_space<vmem>> -> memref<1x80xi32, #tpu.memory_space<vmem>>
      %dma_wait3A_187 = tpu.memref_squeeze %dma_wait3A_186 : memref<1x80xi32, #tpu.memory_space<vmem>> -> memref<80xi32, #tpu.memory_space<vmem>>
      %dma_wait3A_188 = tpu.memref_slice %arg3[%add3A_183] : memref<640000xi32, #tpu.memory_space<hbm>> -> memref<80xi32, #tpu.memory_space<hbm>>
      %dma_wait3A_189 = arith.constant 0 : i32
      %dma_wait3A_190 = tpu.memref_slice %arg6[%dma_wait3A_184, %dma_wait3A_189] : memref<2x80xi32, #tpu.memory_space<vmem>> -> memref<1x80xi32, #tpu.memory_space<vmem>>
      %dma_wait3A_191 = tpu.memref_squeeze %dma_wait3A_190 : memref<1x80xi32, #tpu.memory_space<vmem>> -> memref<80xi32, #tpu.memory_space<vmem>>
      %dma_wait3A_192 = tpu.memref_slice %arg3[%add3A_183] : memref<640000xi32, #tpu.memory_space<hbm>> -> memref<80xi32, #tpu.memory_space<hbm>>
      tpu.wait_dma2 semaphore(%arg11 : memref<!tpu.dma_semaphore, #tpu.memory_space<semaphore_mem>>) src(%dma_wait3A_192 : memref<80xi32, #tpu.memory_space<hbm>>) dst(%dma_wait3A_191 : memref<80xi32, #tpu.memory_space<vmem>>)
      %add3A_193 = arith.constant 320000 : i32
      %add3A_194 = arith.addi %add3A_193, %mul3A_33 : i32
      %mul3A_195 = arith.constant 80 : i32
      %mul3A_196 = arith.muli %min3A_152, %mul3A_195 : i32
      %add3A_197 = arith.addi %add3A_194, %mul3A_196 : i32
      %dma_wait3A_198 = arith.constant 1 : i32
      %dma_wait3A_199 = arith.constant 0 : i32
      %dma_wait3A_200 = tpu.memref_slice %arg6[%dma_wait3A_198, %dma_wait3A_199] : memref<2x80xi32, #tpu.memory_space<vmem>> -> memref<1x80xi32, #tpu.memory_space<vmem>>
      %dma_wait3A_201 = tpu.memref_squeeze %dma_wait3A_200 : memref<1x80xi32, #tpu.memory_space<vmem>> -> memref<80xi32, #tpu.memory_space<vmem>>
      %dma_wait3A_202 = tpu.memref_slice %arg3[%add3A_197] : memref<640000xi32, #tpu.memory_space<hbm>> -> memref<80xi32, #tpu.memory_space<hbm>>
      %dma_wait3A_203 = arith.constant 0 : i32
      %dma_wait3A_204 = tpu.memref_slice %arg6[%dma_wait3A_198, %dma_wait3A_203] : memref<2x80xi32, #tpu.memory_space<vmem>> -> memref<1x80xi32, #tpu.memory_space<vmem>>
      %dma_wait3A_205 = tpu.memref_squeeze %dma_wait3A_204 : memref<1x80xi32, #tpu.memory_space<vmem>> -> memref<80xi32, #tpu.memory_space<vmem>>
      %dma_wait3A_206 = tpu.memref_slice %arg3[%add3A_197] : memref<640000xi32, #tpu.memory_space<hbm>> -> memref<80xi32, #tpu.memory_space<hbm>>
      tpu.wait_dma2 semaphore(%arg12 : memref<!tpu.dma_semaphore, #tpu.memory_space<semaphore_mem>>) src(%dma_wait3A_206 : memref<80xi32, #tpu.memory_space<hbm>>) dst(%dma_wait3A_205 : memref<80xi32, #tpu.memory_space<vmem>>)
    }
    %scan3A_68 = arith.constant 62 : i32
    %dma_wait3A = arith.constant 0 : i32
    %dma_wait3A_69 = arith.constant 0 : i32
    %dma_wait3A_70 = arith.constant 0 : i32
    %dma_wait3A_71 = tpu.memref_slice %arg7[%dma_wait3A, %dma_wait3A_69, %dma_wait3A_70] : memref<2x80x128xf32, #tpu.memory_space<vmem>> -> memref<1x80x128xf32, #tpu.memory_space<vmem>>
    %dma_wait3A_72 = tpu.memref_squeeze %dma_wait3A_71 : memref<1x80x128xf32, #tpu.memory_space<vmem>> -> memref<80x128xf32, #tpu.memory_space<vmem>>
    %dma_wait3A_73 = arith.constant 9920 : i32
    %dma_wait3A_74 = tpu.memref_slice %arg5[%dma_wait3A_73] : memref<10000xi32, #tpu.memory_space<vmem>> -> memref<80xi32, #tpu.memory_space<vmem>>
    %dma_wait3A_75 = arith.constant 0 : i32
    %dma_wait3A_76 = arith.constant 0 : i32
    %dma_wait3A_77 = tpu.memref_slice %arg2[%dma_wait3A_75, %dma_wait3A_76] : memref<10000x128xf32, #tpu.memory_space<hbm>> -> memref<10000x128xf32, #tpu.memory_space<hbm>>
    tpu.wait_indirect_dma semaphore(%arg9 : memref<!tpu.dma_semaphore, #tpu.memory_space<semaphore_mem>>) src(%dma_wait3A_77 : memref<10000x128xf32, #tpu.memory_space<hbm>>) dst(%dma_wait3A_72 : memref<80x128xf32, #tpu.memory_space<vmem>>)
    %run_scoped3A_78 = arith.constant 0 : i32
    %run_scoped3A_79 = arith.constant 0 : i32
    "tpu.region"() ({
      %run_scoped3A_95 = tpu.sem_alloc : memref<!tpu.dma_semaphore, #tpu.memory_space<semaphore_mem>>
      %dma_start3A_96 = arith.constant 0 : i32
      %dma_start3A_97 = arith.constant 0 : i32
      %dma_start3A_98 = tpu.memref_slice %arg7[%run_scoped3A_78, %dma_start3A_96, %dma_start3A_97] : memref<2x80x128xf32, #tpu.memory_space<vmem>> -> memref<1x80x128xf32, #tpu.memory_space<vmem>>
      %dma_start3A_99 = tpu.memref_squeeze %dma_start3A_98 : memref<1x80x128xf32, #tpu.memory_space<vmem>> -> memref<80x128xf32, #tpu.memory_space<vmem>>
      %dma_start3A_100 = arith.constant 0 : i32
      %dma_start3A_101 = tpu.memref_slice %arg6[%run_scoped3A_79, %dma_start3A_100] : memref<2x80xi32, #tpu.memory_space<vmem>> -> memref<1x80xi32, #tpu.memory_space<vmem>>
      %dma_start3A_102 = tpu.memref_squeeze %dma_start3A_101 : memref<1x80xi32, #tpu.memory_space<vmem>> -> memref<80xi32, #tpu.memory_space<vmem>>
      %dma_start3A_103 = arith.constant 0 : i32
      %dma_start3A_104 = arith.constant 0 : i32
      %dma_start3A_105 = tpu.memref_slice %arg8[%dma_start3A_103, %dma_start3A_104] : memref<10240x128xf32, #tpu.memory_space<vmem_shared>> -> memref<10240x128xf32, #tpu.memory_space<vmem_shared>>
      tpu.enqueue_indirect_dma source(%dma_start3A_99 : memref<80x128xf32, #tpu.memory_space<vmem>>) target(%dma_start3A_105 : memref<10240x128xf32, #tpu.memory_space<vmem_shared>>) offsets(%dma_start3A_102 : memref<80xi32, #tpu.memory_space<vmem>>) semaphore(%run_scoped3A_95 : memref<!tpu.dma_semaphore, #tpu.memory_space<semaphore_mem>>) {add = true}
      %dma_wait3A_106 = arith.constant 0 : i32
      %dma_wait3A_107 = arith.constant 0 : i32
      %dma_wait3A_108 = tpu.memref_slice %arg7[%run_scoped3A_78, %dma_wait3A_106, %dma_wait3A_107] : memref<2x80x128xf32, #tpu.memory_space<vmem>> -> memref<1x80x128xf32, #tpu.memory_space<vmem>>
      %dma_wait3A_109 = tpu.memref_squeeze %dma_wait3A_108 : memref<1x80x128xf32, #tpu.memory_space<vmem>> -> memref<80x128xf32, #tpu.memory_space<vmem>>
      %dma_wait3A_110 = arith.constant 0 : i32
      %dma_wait3A_111 = tpu.memref_slice %arg6[%run_scoped3A_79, %dma_wait3A_110] : memref<2x80xi32, #tpu.memory_space<vmem>> -> memref<1x80xi32, #tpu.memory_space<vmem>>
      %dma_wait3A_112 = tpu.memref_squeeze %dma_wait3A_111 : memref<1x80xi32, #tpu.memory_space<vmem>> -> memref<80xi32, #tpu.memory_space<vmem>>
      %dma_wait3A_113 = arith.constant 0 : i32
      %dma_wait3A_114 = arith.constant 0 : i32
      %dma_wait3A_115 = tpu.memref_slice %arg8[%dma_wait3A_113, %dma_wait3A_114] : memref<10240x128xf32, #tpu.memory_space<vmem_shared>> -> memref<10240x128xf32, #tpu.memory_space<vmem_shared>>
      tpu.wait_indirect_dma semaphore(%run_scoped3A_95 : memref<!tpu.dma_semaphore, #tpu.memory_space<semaphore_mem>>) src(%dma_wait3A_109 : memref<80x128xf32, #tpu.memory_space<vmem>>) dst(%dma_wait3A_115 : memref<10240x128xf32, #tpu.memory_space<vmem_shared>>)
      tpu.yield
    }) : () -> ()
    %dma_wait3A_80 = arith.constant 1 : i32
    %dma_wait3A_81 = arith.constant 0 : i32
    %dma_wait3A_82 = arith.constant 0 : i32
    %dma_wait3A_83 = tpu.memref_slice %arg7[%dma_wait3A_80, %dma_wait3A_81, %dma_wait3A_82] : memref<2x80x128xf32, #tpu.memory_space<vmem>> -> memref<1x80x128xf32, #tpu.memory_space<vmem>>
    %dma_wait3A_84 = tpu.memref_squeeze %dma_wait3A_83 : memref<1x80x128xf32, #tpu.memory_space<vmem>> -> memref<80x128xf32, #tpu.memory_space<vmem>>
    %dma_wait3A_85 = arith.constant 9920 : i32
    %dma_wait3A_86 = tpu.memref_slice %arg5[%dma_wait3A_85] : memref<10000xi32, #tpu.memory_space<vmem>> -> memref<80xi32, #tpu.memory_space<vmem>>
    %dma_wait3A_87 = arith.constant 0 : i32
    %dma_wait3A_88 = arith.constant 0 : i32
    %dma_wait3A_89 = tpu.memref_slice %arg2[%dma_wait3A_87, %dma_wait3A_88] : memref<10000x128xf32, #tpu.memory_space<hbm>> -> memref<10000x128xf32, #tpu.memory_space<hbm>>
    tpu.wait_indirect_dma semaphore(%arg10 : memref<!tpu.dma_semaphore, #tpu.memory_space<semaphore_mem>>) src(%dma_wait3A_89 : memref<10000x128xf32, #tpu.memory_space<hbm>>) dst(%dma_wait3A_84 : memref<80x128xf32, #tpu.memory_space<vmem>>)
    %barrier3A_90 = arith.constant 0 : index
    tpu.barrier barrier_id(%barrier3A_90)
    %mul3A_91 = arith.constant 640 : i32
    %mul3A_92 = arith.muli %arg1, %mul3A_91 : i32
    %mul3A_93 = arith.constant 640 : i32
    %mul3A_94 = arith.muli %arg1, %mul3A_93 : i32
    "tpu.region"() ({
      %run_scoped3A_95 = tpu.sem_alloc : memref<!tpu.dma_semaphore, #tpu.memory_space<semaphore_mem>>
      %dma_start3A_96 = arith.constant 0 : i32
      %dma_start3A_97 = tpu.memref_slice %arg4[%arg0, %mul3A_94, %dma_start3A_96] : memref<2x10240x128xf32, #tpu.memory_space<hbm>> -> memref<1x640x128xf32, #tpu.memory_space<hbm>>
      %dma_start3A_98 = tpu.memref_squeeze %dma_start3A_97 : memref<1x640x128xf32, #tpu.memory_space<hbm>> -> memref<640x128xf32, #tpu.memory_space<hbm>>
      %dma_start3A_99 = arith.constant 0 : i32
      %dma_start3A_100 = tpu.memref_slice %arg8[%mul3A_92, %dma_start3A_99] : memref<10240x128xf32, #tpu.memory_space<vmem_shared>> -> memref<640x128xf32, #tpu.memory_space<vmem_shared>>
      tpu.enqueue_dma source(%dma_start3A_100 : memref<640x128xf32, #tpu.memory_space<vmem_shared>>) target(%dma_start3A_98 : memref<640x128xf32, #tpu.memory_space<hbm>>) target_semaphore(%run_scoped3A_95 : memref<!tpu.dma_semaphore, #tpu.memory_space<semaphore_mem>>)
      %dma_wait3A_101 = arith.constant 0 : i32
      %dma_wait3A_102 = tpu.memref_slice %arg4[%arg0, %mul3A_94, %dma_wait3A_101] : memref<2x10240x128xf32, #tpu.memory_space<hbm>> -> memref<1x640x128xf32, #tpu.memory_space<hbm>>
      %dma_wait3A_103 = tpu.memref_squeeze %dma_wait3A_102 : memref<1x640x128xf32, #tpu.memory_space<hbm>> -> memref<640x128xf32, #tpu.memory_space<hbm>>
      %dma_wait3A_104 = arith.constant 0 : i32
      %dma_wait3A_105 = tpu.memref_slice %arg8[%mul3A_92, %dma_wait3A_104] : memref<10240x128xf32, #tpu.memory_space<vmem_shared>> -> memref<640x128xf32, #tpu.memory_space<vmem_shared>>
      tpu.wait_dma2 semaphore(%run_scoped3A_95 : memref<!tpu.dma_semaphore, #tpu.memory_space<semaphore_mem>>) src(%dma_wait3A_105 : memref<640x128xf32, #tpu.memory_space<vmem_shared>>) dst(%dma_wait3A_103 : memref<640x128xf32, #tpu.memory_space<hbm>>)
      tpu.yield
    }) : () -> ()
    return
  }
}

module attributes {stable_mosaic.version = 14 : i64} {
  func.func @_dense_body(%arg0: memref<2x10240x128xf32, #tpu.memory_space<vmem>>, %arg1: memref<10000x128xf32, #tpu.memory_space<vmem>>, %arg2: memref<128x128xf32, #tpu.memory_space<vmem>>, %arg3: memref<1x128xf32, #tpu.memory_space<vmem>>, %arg4: memref<1x128xf32, #tpu.memory_space<vmem>>, %arg5: memref<1x128xf32, #tpu.memory_space<vmem>>, %arg6: memref<10000x1xf32, #tpu.memory_space<vmem>>, %arg7: memref<10000x128xf32, #tpu.memory_space<vmem>>) attributes {dimension_semantics = [], scalar_prefetch = 0 : i64, scratch_operands = 0 : i64, tpu.core_type = #tpu.core_type<tc>} {
    %get3A = arith.constant 0 : index
    %get3A_0 = arith.constant 0 : index
    %get3A_1 = arith.constant 0 : index
    %get3A_2 = vector.load %arg0[%get3A, %get3A_0, %get3A_1] : memref<2x10240x128xf32, #tpu.memory_space<vmem>>, vector<2x10240x128xf32>
    %slice3A = vector.extract_strided_slice %get3A_2 {offsets = [0, 0, 0], sizes = [1, 10000, 128], strides = [1, 1, 1]} : vector<2x10240x128xf32> to vector<1x10000x128xf32>
    %squeeze3A = vector.shape_cast %slice3A : vector<1x10000x128xf32> to vector<10000x128xf32>
    %slice3A_3 = vector.extract_strided_slice %get3A_2 {offsets = [1, 0, 0], sizes = [1, 10000, 128], strides = [1, 1, 1]} : vector<2x10240x128xf32> to vector<1x10000x128xf32>
    %squeeze3A_4 = vector.shape_cast %slice3A_3 : vector<1x10000x128xf32> to vector<10000x128xf32>
    %add3A = arith.addf %squeeze3A, %squeeze3A_4 : vector<10000x128xf32>
    %get3A_5 = arith.constant 0 : index
    %get3A_6 = arith.constant 0 : index
    %get3A_7 = vector.load %arg2[%get3A_5, %get3A_6] : memref<128x128xf32, #tpu.memory_space<vmem>>, vector<128x128xf32>
    %dot_general3A = arith.constant dense<0.000000e+00> : vector<10000x128xf32>
    %dot_general3A_8 = tpu.matmul %add3A, %get3A_7, %dot_general3A {dimension_numbers = #tpu.dot_dimension_numbers<[1], [0], [0], [1], [0, 0, 1, 1], [], []>, transpose_lhs_hint = false} : vector<10000x128xf32>, vector<128x128xf32>, vector<10000x128xf32> -> vector<10000x128xf32>
    %get3A_9 = arith.constant 0 : index
    %get3A_10 = arith.constant 0 : index
    %get3A_11 = vector.load %arg3[%get3A_9, %get3A_10] : memref<1x128xf32, #tpu.memory_space<vmem>>, vector<1x128xf32>
    %add3A_12 = vector.broadcast %get3A_11 : vector<1x128xf32> to vector<10000x128xf32>
    %add3A_13 = arith.addf %dot_general3A_8, %add3A_12 : vector<10000x128xf32>
    %get3A_14 = arith.constant 0 : index
    %get3A_15 = arith.constant 0 : index
    %get3A_16 = vector.load %arg6[%get3A_14, %get3A_15] : memref<10000x1xf32, #tpu.memory_space<vmem>>, vector<10000x1xf32>
    %mul3A = vector.broadcast %get3A_16 : vector<10000x1xf32> to vector<10000x128xf32>
    %mul3A_17 = arith.mulf %add3A_13, %mul3A : vector<10000x128xf32>
    %reduce_sum3A = arith.constant dense<0.000000e+00> : vector<128xf32>
    %reduce_sum3A_18 = vector.multi_reduction <add>, %mul3A_17, %reduce_sum3A [0] : vector<10000x128xf32> to vector<128xf32>
    %broadcast_in_dim3A = vector.shape_cast %reduce_sum3A_18 : vector<128xf32> to vector<1x128xf32>
    %div3A = arith.constant 1.000000e+04 : f32
    %div3A_19 = vector.broadcast %div3A : f32 to vector<1x128xf32>
    %div3A_20 = arith.divf %broadcast_in_dim3A, %div3A_19 : vector<1x128xf32>
    %sub3A = vector.broadcast %div3A_20 : vector<1x128xf32> to vector<10000x128xf32>
    %sub3A_21 = arith.subf %mul3A_17, %sub3A : vector<10000x128xf32>
    %sub3A_22 = vector.broadcast %div3A_20 : vector<1x128xf32> to vector<10000x128xf32>
    %sub3A_23 = arith.subf %mul3A_17, %sub3A_22 : vector<10000x128xf32>
    %mul3A_24 = arith.mulf %sub3A_21, %sub3A_23 : vector<10000x128xf32>
    %reduce_sum3A_25 = arith.constant dense<0.000000e+00> : vector<128xf32>
    %reduce_sum3A_26 = vector.multi_reduction <add>, %mul3A_24, %reduce_sum3A_25 [0] : vector<10000x128xf32> to vector<128xf32>
    %broadcast_in_dim3A_27 = vector.shape_cast %reduce_sum3A_26 : vector<128xf32> to vector<1x128xf32>
    %div3A_28 = arith.constant 1.000000e+04 : f32
    %div3A_29 = vector.broadcast %div3A_28 : f32 to vector<1x128xf32>
    %div3A_30 = arith.divf %broadcast_in_dim3A_27, %div3A_29 : vector<1x128xf32>
    %sub3A_31 = vector.broadcast %div3A_20 : vector<1x128xf32> to vector<10000x128xf32>
    %sub3A_32 = arith.subf %mul3A_17, %sub3A_31 : vector<10000x128xf32>
    %add3A_33 = arith.constant 9.99999974E-6 : f32
    %add3A_34 = vector.broadcast %add3A_33 : f32 to vector<1x128xf32>
    %add3A_35 = arith.addf %div3A_30, %add3A_34 : vector<1x128xf32>
    %rsqrt3A = math.rsqrt %add3A_35 : vector<1x128xf32>
    %mul3A_36 = vector.broadcast %rsqrt3A : vector<1x128xf32> to vector<10000x128xf32>
    %mul3A_37 = arith.mulf %sub3A_32, %mul3A_36 : vector<10000x128xf32>
    %get3A_38 = arith.constant 0 : index
    %get3A_39 = arith.constant 0 : index
    %get3A_40 = vector.load %arg4[%get3A_38, %get3A_39] : memref<1x128xf32, #tpu.memory_space<vmem>>, vector<1x128xf32>
    %mul3A_41 = vector.broadcast %get3A_40 : vector<1x128xf32> to vector<10000x128xf32>
    %mul3A_42 = arith.mulf %mul3A_37, %mul3A_41 : vector<10000x128xf32>
    %get3A_43 = arith.constant 0 : index
    %get3A_44 = arith.constant 0 : index
    %get3A_45 = vector.load %arg5[%get3A_43, %get3A_44] : memref<1x128xf32, #tpu.memory_space<vmem>>, vector<1x128xf32>
    %add3A_46 = vector.broadcast %get3A_45 : vector<1x128xf32> to vector<10000x128xf32>
    %add3A_47 = arith.addf %mul3A_42, %add3A_46 : vector<10000x128xf32>
    %get3A_48 = arith.constant 0 : index
    %get3A_49 = arith.constant 0 : index
    %get3A_50 = vector.load %arg1[%get3A_48, %get3A_49] : memref<10000x128xf32, #tpu.memory_space<vmem>>, vector<10000x128xf32>
    %max3A = arith.constant 0.000000e+00 : f32
    %max3A_51 = vector.broadcast %max3A : f32 to vector<10000x128xf32>
    %max3A_52 = arith.maximumf %add3A_47, %max3A_51 : vector<10000x128xf32>
    %add3A_53 = arith.addf %get3A_50, %max3A_52 : vector<10000x128xf32>
    %swap3A = arith.constant 0 : index
    %swap3A_54 = arith.constant 0 : index
    %swap3A_55 = vector.load %arg7[%swap3A, %swap3A_54] : memref<10000x128xf32, #tpu.memory_space<vmem>>, vector<10000x128xf32>
    tpu.vector_store %arg7[%swap3A, %swap3A_54], %add3A_53 {strides = array<i32>} : memref<10000x128xf32, #tpu.memory_space<vmem>>, vector<10000x128xf32>,
    return
  }
}

</mosaic_0001>

<sc_bundles>
// kernel: kernel.4.cloned.1.call-start
scs
__scs_entry_jumppad:
0x0: {  	(pc) =	sbr.rel $0x88, $3  }
0x1: {  	(tag) =	ssettag $0x0;
	lr =	simm.s32 $0x1  }
0x2: {  	[smem:$0x3F9A] =	sst lr;
	_ =	strace $0xD0000000  }
0x3: {  	_ = 	snop  }
0x4: {  	_ = 	snop  }
0x5: {  	_ = 	snop  }
0x6: {  	_ = 	snop  }
0x7: {  	_ = 	snop  }
__scs_overlays_trampoline_lowered:
0x8: {  	[smem:$0x3FA9] =	sst s0  }
0x9: {  	[smem:$0x3FAA] =	sst s1  }
0xa: {  	[smem:$0x3FAB] =	sst s2  }
0xb: {  	[smem:$0x3FAC] =	sst s3  }
0xc: {  	[smem:$0x3FAD] =	sst s4  }
0xd: {  	[smem:$0x3FAE] =	sst s5  }
0xe: {  	[smem:$0x3FAF] =	sst s6  }
0xf: {  	[smem:$0x3FB0] =	sst s7  }
0x10: {  	[smem:$0x3FB1] =	sst s8  }
0x11: {  	[smem:$0x3FB2] =	sst s9;
	s0 =	simm.s32 @!p0 $0x0  }
0x12: {  	s1 =	sld [smem:$0x3F98];
	s0 =	simm.s32 @p0 $0x1  }
0x13: {  	[smem:$0x3FB3] =	sst s0;
	s0 =	simm.s32 @!p1 $0x0  }
0x14: {  	s2 =	sld [smem:$0x3F97];
	s0 =	simm.s32 @p1 $0x1  }
0x15: {  	[smem:$0x3FB4] =	sst s0;
	s0 =	simm.s32 @!p2 $0x0  }
0x16: {  	s3 =	sld [smem:$0x3FDB];
	s0 =	simm.s32 @p2 $0x1  }
0x17: {  	s4 =	simm.s32 $0x1BF5;
	[smem:$0x3FB6] =	sst s0  }
0x18: {  	s0 =	sld [smem:$0x3F99];
	_ =	swait.ge [sflag:s4], $0x0  }
0x19: {  	s7 =	sld [smem:$0x3F9A]  }
0x1a: {  	s8 =	sadd.s32 $0xFFFFE003, lr  }
0x1b: {  	s9 =	sadd.s32 $0xFFFFFEF7, lr;
	s5 =	simm.s32 $0xFFFFFFFF;
	p2 =	slt.u32 s8, $0xFFFFF086  }
0x1c: {  	p1 =	slt.u32 s9, $0xF7A;
	s5 =	simm.s32 @!p2 $0x0  }
0x1d: {  	s5 =	simm.s32 @p1 $0x1;
	p0 =	seq.s32 s7, s2  }
0x1e: {  	s7 =	smul.u32 @!p0 $0xF7A, s2;
	p2 =	seq.s32 @!p0 s5, $0x0  }
0x1f: {  	s9 =	smul.u32 $0xF7A, s1;
	s8 =	simm.s32 @!p0 $0x1BF5;
	p2 =	por !p2, p0  }
0x20: {  	[sflag:s8] =	ssyncset.s32 @!p0 $0xFFFFF086;
	s6 =	sadd.s32 @!p0 s3, s7;
	s7 =	simm.s32 @!p0 $0x108  }
0x21: {  	s3 =	sadd.s32 s3, s9;
	s6 =	sadd.s32 @!p0 $0x88, s6;
	s7 =	simm.s32 @p2 $0x1082  }
0x22: {  	[simem:s7], [sflag:s8] =	dma.local @!p0 [hbm:s6], $0xF7A  }
0x23: {  	s9 =	sor.u32 $0xD0000000, s2;
	s6 =	simm.s32 $0x108;
	_ =	swait.ge @!p0 [sflag:s8], $0x0  }
0x24: {  	s3 =	sadd.s32 $0x88, s3;
	s6 =	simm.s32 @!p1 $0x1082;
	[sflag:s4] =	ssyncset.s32 $0xFFFFF086  }
0x25: {  	[simem:s6], [sflag:s4] =	dma.local [hbm:s3], $0xF7A  }
0x26: {  	[smem:$0x3F9A] =	sst s1;
	(tag) =	ssettag s2;
	_ =	strace s9  }
0x27: {  	s1 =	sld [smem:$0x3FAA]  }
0x28: {  	s2 =	sld [smem:$0x3FAB]  }
0x29: {  	s4 =	sld [smem:$0x3FAD]  }
0x2a: {  	p0 =	seq.s32 s5, $0x0;
	s5 =	sld [smem:$0x3FAE]  }
0x2b: {  	s6 =	sld [smem:$0x3FAF]  }
0x2c: {  	s7 =	sld [smem:$0x3FB0]  }
0x2d: {  	s3 =	simm.s32 $0x108;
	s8 =	sld [smem:$0x3FB1]  }
0x2e: {  	s3 =	simm.s32 @!p0 $0x1082;
	s9 =	sld [smem:$0x3FB2]  }
0x2f: {  	lr =	sadd.s32 s0, s3;
	s0 =	sld [smem:$0x3FA9]  }
0x30: {  	s3 =	sld [smem:$0x3FAC]  }
0x31: {  	[smem:$0x3FB5] =	sst s10  }
0x32: {  	s10 =	sld [smem:$0x3FB3];
	_ =	sdelay $0x3  }
0x33: {  	p0 =	seq.s32 s10, $0x1;
	s10 =	sld [smem:$0x3FB5];
	_ =	sdelay $0x3  }
0x34: {  	[smem:$0x3FB5] =	sst s10  }
0x35: {  	s10 =	sld [smem:$0x3FB4];
	_ =	sdelay $0x3  }
0x36: {  	p1 =	seq.s32 s10, $0x1;
	s10 =	sld [smem:$0x3FB5];
	_ =	sdelay $0x3  }
0x37: {  	[smem:$0x3FB5] =	sst s10  }
0x38: {  	s10 =	sld [smem:$0x3FB6]  }
0x39: {  	_ = 	snop;
	(pc) =	sbr.ind lr, $3  }
0x3a: {  	_ = 	snop  }
0x3b: {  	_ = 	snop  }
0x3c: {  	p2 =	seq.s32 s10, $0x1;
	s10 =	sld [smem:$0x3FB5]  }
0x3d: {  	_ =	shalt  }
0x3e: {  	_ =	shalt  }
0x3f: {  	_ =	shalt  }
0x40: {  	_ =	shalt  }
0x41: {  	_ =	shalt  }
0x42: {  	_ =	shalt  }
0x43: {  	_ =	shalt  }
0x44: {  	_ =	shalt  }
0x45: {  	_ =	shalt  }
0x46: {  	_ =	shalt  }
0x47: {  	_ =	shalt  }
0x48: {  	_ =	shalt  }
0x49: {  	_ =	shalt  }
0x4a: {  	_ =	shalt  }
0x4b: {  	_ =	shalt  }
0x4c: {  	_ =	shalt  }
0x4d: {  	_ =	shalt  }
0x4e: {  	_ =	shalt  }
0x4f: {  	_ =	shalt  }
0x50: {  	_ =	shalt  }
0x51: {  	_ =	shalt  }
0x52: {  	_ =	shalt  }
0x53: {  	_ =	shalt  }
0x54: {  	_ =	shalt  }
0x55: {  	_ =	shalt  }
0x56: {  	_ =	shalt  }
0x57: {  	_ =	shalt  }
0x58: {  	_ =	shalt  }
0x59: {  	_ =	shalt  }
0x5a: {  	_ =	shalt  }
0x5b: {  	_ =	shalt  }
0x5c: {  	_ =	shalt  }
0x5d: {  	_ =	shalt  }
0x5e: {  	_ =	shalt  }
0x5f: {  	_ =	shalt  }
0x60: {  	_ =	shalt  }
0x61: {  	_ =	shalt  }
0x62: {  	_ =	shalt  }
0x63: {  	_ =	shalt  }
0x64: {  	_ =	shalt  }
0x65: {  	_ =	shalt  }
0x66: {  	_ =	shalt  }
0x67: {  	_ =	shalt  }
0x68: {  	_ =	shalt  }
0x69: {  	_ =	shalt  }
0x6a: {  	_ =	shalt  }
0x6b: {  	_ =	shalt  }
0x6c: {  	_ =	shalt  }
0x6d: {  	_ =	shalt  }
0x6e: {  	_ =	shalt  }
0x6f: {  	_ =	shalt  }
0x70: {  	_ =	shalt  }
0x71: {  	_ =	shalt  }
0x72: {  	_ =	shalt  }
0x73: {  	_ =	shalt  }
0x74: {  	_ =	shalt  }
0x75: {  	_ =	shalt  }
0x76: {  	_ =	shalt  }
0x77: {  	_ =	shalt  }
0x78: {  	_ =	shalt  }
0x79: {  	_ =	shalt  }
0x7a: {  	_ =	shalt  }
0x7b: {  	_ =	shalt  }
0x7c: {  	_ =	shalt  }
0x7d: {  	_ =	shalt  }
0x7e: {  	_ =	shalt  }
0x7f: {  	_ =	shalt  }
0x80: {  	_ =	shalt  }
0x81: {  	_ =	shalt  }
0x82: {  	_ =	shalt  }
0x83: {  	_ =	shalt  }
0x84: {  	_ =	shalt  }
0x85: {  	_ =	shalt  }
0x86: {  	_ =	shalt  }
0x87: {  	_ =	shalt  }
.Lfunc_end0:
.L_simem_size_0:
called_computation_lowered:
.L_overlay_start_0:
0x88: {  	s2 =	sld [smem:$0x3FD9]  }
0x89: {  	s3 =	sld [smem:$0x3FFE];
	_ =	sdelay $0x1  }
0x8a: {  	s1 =	srdreg.scid  }
0x8b: {  	s0 =	sand.u32 $0x1, s1  }
0x8c: {  	s17 =	sshll.u32 s0, $0xA;
	s2 =	sadd.s32 s3, s2  }
0x8d: {  	s2 =	sadd.s32 s2, s17  }
0x8e: {  	[smem:$0x3FC1] =	sst s2  }
0x8f: {  	_ = 	snop  }
0x90: {  	s2 =	sld [smem:$0x3FC9]  }
0x91: {  	s18 =	sld [smem:$0x3FD0];
	(tm) =	ssettm $0x1  }
0x92: {  	s4 =	sld [smem:$0x3FFB];
	_ =	sdelay $0x3  }
0x93: {  	_ =	strace s4  }
0x94: {  	s4 =	sld [smem:$0x3FFC];
	_ =	sdelay $0x3  }
0x95: {  	_ =	strace s4  }
0x96: {  	s4 =	sld [smem:$0x3FFD];
	_ =	sdelay $0x3  }
0x97: {  	_ =	strace s4  }
0x98: {  	_ =	strace $0x8FFFFFFF  }
0x99: {  	s19 =	sld [smem:$0x3FDB];
	_ =	sdelay $0x1  }
0x9a: {  	s5 =	simm.s32 $_scs_section_size  }
0x9b: {  	s6 =	simm.s32 $_size__tile_overlayer_lowered;
	s7 =	simm.s32 $_tile_overlayer_lowered  }
0x9c: {  	s22 =	simm.s32 $0x1BFF;
	s21 =	sshll.u32 s7, $0x1;
	s4 =	sadd.s32 s5, s19  }
0x9d: {  	s8 =	simm.s32 $0x0;
	s20 =	sshll.u32 s6, $0x1;
	s6 =	sadd.s32 s21, s4  }
0x9e: {  	[timem:s8], [sflag:s22] =	dma.local [hbm:s6], s20  }
0x9f: {  	_ =	swait.ge [sflag:s22], s20  }
0xa0: {  	s5 =	ssub.s32 $0x0, s20;
	[sflag:s22] =	ssyncset.done $0x0  }
0xa1: {  	[sflag:s22] =	ssyncadd.s32 s5;
	_ =	sdelay $0x1  }
0xa2: {  	s23 =	simm.s32 $0x1B8B  }
0xa3: {  	_ =	swait.ge [sflag:s23], $0x1  }
0xa4: {  	[sflag:s23] =	ssyncset.done $0x0  }
0xa5: {  	s25 =	simm.s32 $0x1B8E;
	s24 =	sld [smem:$0x3FFE];
	[sflag:s23] =	ssyncadd.s32 $0xFFFFFFFF  }
0xa6: {  	s26 =	simm.s32 $execute0_lowered;
	[smem:$0x3FD2] =	sst s25  }
0xa7: {  	s6 =	sshll.u32 s26, $0x1;
	_ =	strace $0x80000046;
	[dreg:$0x1] =	wrdreg $0xFFFFFFFF  }
0xa8: {  	s28 =	simm.s32 $_size_execute0_lowered;
	s4 =	sadd.s32 s4, s6;
	[dreg:$0x0] =	wrdreg $0x0  }
0xa9: {  	s6 =	sshll.u32 s28, $0x1;
	[dreg:$0x2] =	wrdreg s4  }
0xaa: {  	[dreg:$0x3] =	wrdreg s6  }
0xab: {  	[dreg:$0x4] =	wrdreg $0xC0  }
0xac: {  	_ =	task [dreg:s8], $0x5FFFF  }
0xad: {  	[dreg:$0x1] =	wrdreg $0xFFFFFFFF  }
0xae: {  	[dreg:$0x0] =	wrdreg $0x60  }
0xaf: {  	[dreg:$0x2] =	wrdreg s2  }
0xb0: {  	[dreg:$0x3] =	wrdreg s18  }
0xb1: {  	[dreg:$0x4] =	wrdreg s24  }
0xb2: {  	[dreg:$0x5] =	wrdreg $0x78800  }
0xb3: {  	[dreg:$0x6] =	wrdreg $0x9  }
0xb4: {  	_ =	task.clear_ibuf [dreg:s8], $0x7FFFF;
	_ =	strace $0x90000046  }
0xb5: {  	s29 =	simm.s32 $0x9;
	_ =	strace $0x80000048  }
0xb6: {  	_ =	swait.ge [sflag:s29], $0x1  }
0xb7: {  	[sflag:s29] =	ssyncadd.s32 $0xFFFFFFFF  }
0xb8: {  	_ =	strace $0x90000048  }
0xb9: {  	_ =	sfence  }
0xba: {  	s30 =	sld [smem:$0x0];
	_ =	sdelay $0x2  }
0xbb: {  	s31 =	sshll.u32 s1, $0xD;
	s1 =	sshrl.u32 s1, $0x2  }
0xbc: {  	s3 =	sand.u32 $0x4000, s31;
	s1 =	sadd.s32 s1, s30  }
0xbd: {  	s0 =	sor.u32 s3, s0;
	s1 =	sshll.u32 s1, $0x11  }
0xbe: {  	s0 =	sor.u32 s1, s0  }
0xbf: {  	s0 =	sadd.s32 $0x8F2B, s0  }
0xc0: {  	[sflag:s0] =	ssyncadd.remote.s32 $0x1  }
0xc1: {  	_ =	sfence.sel $0xFFFF  }
0xc2: {  	[dreg:$0x0] =	wrdreg $0xFFFFFFFF;
	(pc) =	sbr.abs _section_cstart, $3  }
0xc3: {  	[dreg:$0x1] =	wrdreg $0xFFFFFFFF  }
0xc4: {  	_ =	task.clear_ibuf [dreg:s8], $0x2FFFF;
	_ =	strace $0x9FFFFFFF  }
0xc5: {  	(tm) =	ssettm $0x7FFFFFFF  }
tec
execute0_lowered:
.L_overlay_start_1:
0x0: {  	(tag) =	ssettag $0x1  }
0x1: {  	s1 =	rddreg [dreg:$0x0]  }
0x2: {  	s2 =	rddreg [dreg:$0x1]  }
0x3: {  	s0 =	srdreg.scid;
	s6 =	rddreg [dreg:$0x2]  }
0x4: {  	s11 =	stileid.u32;
	s3 =	rddreg [dreg:$0x3]  }
0x5: {  	s4 =	simm.s32 $0x0;
	s28 =	simm.s32 $0x1;
	s7 =	smul.u32 $0x14000, s11  }
0x6: {  	s29 =	simm.s32 $0x2;
	s30 =	simm.s32 $0x3;
	s19 =	smul.u32 $0x50000, s11  }
0x7: {  	s0 =	sand.u32 $0x1, s0;
	[smem:$0x7FF] =	sst s4;
	s16 =	smul.u32 $0x2710, s11  }
0x8: {  	s31 =	simm.s32 $0x4;
	s5 =	smul.u32 $0x140000, s0;
	_ =	strace $0x80000047  }
0x9: {  	s20 =	ssub.s32 $0x2, s0;
	s9 =	sshll.u32 s0, $0x4;
	s0 =	smul.u32 $0x27100, s0  }
0xa: {  	s8 =	sshrl.u32 s20, $0x1;
	s21 =	sor.u32 s11, s9;
	s5 =	sadd.s32 s7, s5  }
0xb: {  	s7 =	sshrl.u32 s19, $0x2;
	s17 =	ssub.s32 s20, s8;
	s23 =	smul.u32 $0x2710, s21  }
0xc: {  	s0 =	sadd.s32 s16, s0;
	s21 =	simm.s32 $0x2880;
	s5 =	sshrl.u32 s5, $0x3  }
0xd: {  	s26 =	sadd.s32 $0x4E2A0, s0;
	s0 =	sadd.s32 $0x4E2F0, s0;
	s17 =	smax.u32 s17, $0x1  }
0xe: {  	s6 =	sadd.s32 s5, s6;
	s5 =	sadd.s32 s7, s3;
	s0 =	sshrl.u32 s0, $0x3  }
0xf: {  	s7 =	sadd.s32 $0x2800, s5;
	s22 =	sadd.s32 $0x5000, s5;
	s24 =	sadd.s32 $0x7800, s5  }
0x10: {  	s25 =	sadd.s32 $0xA000, s5;
	s10 =	sadd.s32 $0xC800, s5;
	s11 =	sadd.s32 $0xF000, s5  }
0x11: {  	s12 =	sadd.s32 $0x11800, s5;
	s16 =	sadd.s32 $0x1800, s6;
	[dreg:$0x5] =	wrdreg s7  }
0x12: {  	s6 =	sshrl.u32 s26, $0x3;
	s20 =	sadd.s32 s0, s2;
	[dreg:$0x6] =	wrdreg s22  }
0x13: {  	s26 =	simm.s32 $0x5080;
	s0 =	simm.s32 $0x0;
	[dreg:$0x7] =	wrdreg s24  }
0x14: {  	[dreg:$0x8] =	wrdreg s25;
	s7 =	sshrl.u32 s23, $0x3;
	s19 =	sadd.s32 s6, s2  }
0x15: {  	s22 =	simm.s32 $0x5;
	s23 =	simm.s32 $0x2780;
	s24 =	simm.s32 $0x2800  }
0x16: {  	s25 =	simm.s32 $0x50;
	s13 =	sadd.s32 s2, s7;
	s2 =	simm.s32 $0x26C0  }
0x17: {  	v0 =	vimm.f32 $0.0e+00;
	s14 =	sadd.s32 $0x9C40, s13;
	s15 =	sadd.s32 $0x9C4A, s13;
	s18 =	sadd.s32 $0xA118, s13  }
.LBB2_1:
0x18: {  	s6 =	simm.s32 $0x0;
	s7 =	simm.s32 $0x200  }
.LBB2_2:
0x19: {  	p0 =	sne.s32 s7, $0x9E00;
	[tilespmem:s6+$0x28F0] =	vst v0  }
0x1a: {  	[tilespmem:s6+$0x2880] =	vst v0  }
0x1b: {  	[tilespmem:s6+$0x2890] =	vst v0  }
.Ltmp0:
0x1c: {  	[tilespmem:s6+$0x28A0] =	vst v0;
	(pc) =	sbr.rel @p0 .LBB2_2-.Ltmp0, $4  }
0x1d: {  	[tilespmem:s6+$0x28B0] =	vst v0  }
0x1e: {  	[tilespmem:s6+$0x28C0] =	vst v0  }
0x1f: {  	[tilespmem:s6+$0x28D0] =	vst v0  }
0x20: {  	[tilespmem:s6+$0x28E0] =	vst v0;
	s6 =	sshra.s32 s7, $0x2;
	s7 =	sadd.s32 $0x200, s7  }
0x21: {  	[tilespmem:s6+$0x28F0] =	vst v0  }
0x22: {  	[tilespmem:s6+$0x2880] =	vst v0  }
0x23: {  	[tilespmem:s6+$0x2890] =	vst v0  }
0x24: {  	[tilespmem:s6+$0x28A0] =	vst v0  }
0x25: {  	[tilespmem:s6+$0x28B0] =	vst v0  }
0x26: {  	[tilespmem:s6+$0x28C0] =	vst v0  }
0x27: {  	[tilespmem:s6+$0x28D0] =	vst v0  }
0x28: {  	[tilespmem:s6+$0x28E0] =	vst v0  }
0x29: {  	[spmem:s5] =	stream.linear.scatter [tilespmem:s21], [sflag:$0x5], $0x2800, $0x38;
	[tilespmem:$0x1B880] =	vst v63  }
0x2a: {  	_ =	swait.ge [sflag:s22], $0x2800  }
0x2b: {  	[sflag:s22] =	ssyncset.done $0x0  }
0x2c: {  	s9 =	rddreg [dreg:$0x5];
	[sflag:s22] =	ssyncadd.s32 $0xFFFFD800  }
0x2d: {  	[spmem:s9] =	stream.linear.scatter [tilespmem:s21], [sflag:$0x5], $0x2800, $0x38;
	[tilespmem:$0x1B880] =	vst v63  }
0x2e: {  	_ =	swait.ge [sflag:s22], $0x2800  }
0x2f: {  	[sflag:s22] =	ssyncset.done $0x0  }
0x30: {  	s7 =	rddreg [dreg:$0x6];
	[sflag:s22] =	ssyncadd.s32 $0xFFFFD800  }
0x31: {  	[spmem:s7] =	stream.linear.scatter [tilespmem:s21], [sflag:$0x5], $0x2800, $0x38;
	[tilespmem:$0x1B880] =	vst v63  }
0x32: {  	_ =	swait.ge [sflag:s22], $0x2800  }
0x33: {  	[sflag:s22] =	ssyncset.done $0x0  }
0x34: {  	s8 =	rddreg [dreg:$0x7];
	[sflag:s22] =	ssyncadd.s32 $0xFFFFD800  }
0x35: {  	[spmem:s8] =	stream.linear.scatter [tilespmem:s21], [sflag:$0x5], $0x2800, $0x38;
	[tilespmem:$0x1B880] =	vst v63  }
0x36: {  	_ =	swait.ge [sflag:s22], $0x2800  }
0x37: {  	[sflag:s22] =	ssyncset.done $0x0  }
0x38: {  	s9 =	rddreg [dreg:$0x8];
	[sflag:s22] =	ssyncadd.s32 $0xFFFFD800  }
0x39: {  	[spmem:s9] =	stream.linear.scatter [tilespmem:s21], [sflag:$0x5], $0x2800, $0x38;
	[tilespmem:$0x1B880] =	vst v63  }
0x3a: {  	_ =	swait.ge [sflag:s22], $0x2800  }
0x3b: {  	[sflag:s22] =	ssyncset.done $0x0  }
0x3c: {  	[sflag:s22] =	ssyncadd.s32 $0xFFFFD800  }
0x3d: {  	[spmem:s10] =	stream.linear.scatter [tilespmem:s21], [sflag:$0x5], $0x2800, $0x38;
	[tilespmem:$0x1B880] =	vst v63  }
0x3e: {  	_ =	swait.ge [sflag:s22], $0x2800  }
0x3f: {  	[sflag:s22] =	ssyncset.done $0x0  }
0x40: {  	[sflag:s22] =	ssyncadd.s32 $0xFFFFD800  }
0x41: {  	[spmem:s11] =	stream.linear.scatter [tilespmem:s21], [sflag:$0x5], $0x2800, $0x38;
	[tilespmem:$0x1B880] =	vst v63  }
0x42: {  	_ =	swait.ge [sflag:s22], $0x2800  }
0x43: {  	[sflag:s22] =	ssyncset.done $0x0  }
0x44: {  	[sflag:s22] =	ssyncadd.s32 $0xFFFFD800  }
0x45: {  	[spmem:s12] =	stream.linear.scatter [tilespmem:s21], [sflag:$0x5], $0x2800, $0x38;
	[tilespmem:$0x1B880] =	vst v63  }
0x46: {  	_ =	swait.ge [sflag:s22], $0x2800  }
0x47: {  	[sflag:s22] =	ssyncset.done $0x0  }
0x48: {  	s7 =	simm.s32 $0x0;
	[sflag:s22] =	ssyncadd.s32 $0xFFFFD800  }
0x49: {  	[tilespmem:s7], [sflag:$0x5] =	stream.linear.gather [hbm4b:s13+s7], $0x2710, $0x38;
	[tilespmem:$0x1B880] =	vst v63  }
0x4a: {  	_ =	swait.ge [sflag:s22], $0x2710  }
0x4b: {  	[sflag:s22] =	ssyncset.done $0x0  }
0x4c: {  	[sflag:s22] =	ssyncadd.s32 $0xFFFFD8F0  }
0x4d: {  	[bflag:$0x0] =	sbarrier.arrive $0xFFFF  }
0x4e: {  	[tilespmem:s23], [sflag:$0x5] =	stream.linear.gather [hbm4b:s14+s7], $0x50, $0x38;
	[tilespmem:$0x1B880] =	vst v63  }
0x4f: {  	_ =	swait.ge [sflag:s22], $0x50  }
0x50: {  	[sflag:s22] =	ssyncset.done $0x0  }
0x51: {  	[sflag:s22] =	ssyncadd.s32 $0xFFFFFFB0  }
0x52: {  	[tilespmem:s24], [sflag:$0x5] =	stream.linear.gather [hbm4b:s15+s7], $0x50, $0x38;
	[tilespmem:$0x1B880] =	vst v63  }
0x53: {  	_ =	swait.ge [sflag:s22], $0x50  }
0x54: {  	[sflag:s22] =	ssyncset.done $0x0  }
0x55: {  	[sflag:s22] =	ssyncadd.s32 $0xFFFFFFB0  }
0x56: {  	[tilespmem:s21], [sflag:$0x1] =	stream.indirect.gather [hbm4b:s1+s25], $0x80, s7, s25, $0xb8;
	[tilespmem:$0x1B880] =	vst v63  }
0x57: {  	_ = 	snop  }
0x58: {  	[tilespmem:s26], [sflag:$0x2] =	stream.indirect.gather [hbm4b:s1+s25], $0x80, s25, s25, $0xb8;
	[tilespmem:$0x1B880] =	vst v63  }
0x59: {  	_ =	swait.ge [sflag:s28], $0x2800  }
0x5a: {  	[sflag:s28] =	ssyncset.done $0x0  }
0x5b: {  	[sflag:s28] =	ssyncadd.s32 $0xFFFFD800  }
0x5c: {  	[spmem:s3] =	stream.indirect.scatter.add.f32 [tilespmem:s21], [sflag:$0x5], $0x80, s23, s25, $0xb8;
	[tilespmem:$0x1B880] =	vst v63  }
0x5d: {  	_ =	swait.ge [sflag:s22], $0x2800  }
0x5e: {  	[sflag:s22] =	ssyncset.done $0x0  }
0x5f: {  	s8 =	sadd.s32 $0x0, s19;
	[sflag:s22] =	ssyncadd.s32 $0xFFFFD800  }
0x60: {  	[tilespmem:s23], [sflag:$0x3] =	stream.linear.gather [hbm4b:s8+s4], $0x50, $0x38;
	[tilespmem:$0x1B880] =	vst v63  }
0x61: {  	s6 =	simm.s32 $0xA0  }
0x62: {  	[tilespmem:s21], [sflag:$0x1] =	stream.indirect.gather [hbm4b:s1+s25], $0x80, s6, s25, $0xb8;
	[tilespmem:$0x1B880] =	vst v63  }
0x63: {  	_ =	swait.ge [sflag:s29], $0x2800  }
0x64: {  	[sflag:s29] =	ssyncset.done $0x0  }
0x65: {  	[sflag:s29] =	ssyncadd.s32 $0xFFFFD800  }
0x66: {  	[spmem:s3] =	stream.indirect.scatter.add.f32 [tilespmem:s26], [sflag:$0x5], $0x80, s24, s25, $0xb8;
	[tilespmem:$0x1B880] =	vst v63  }
0x67: {  	_ =	swait.ge [sflag:s22], $0x2800  }
0x68: {  	[sflag:s22] =	ssyncset.done $0x0  }
0x69: {  	s7 =	sadd.s32 $0x0, s20;
	[sflag:s22] =	ssyncadd.s32 $0xFFFFD800  }
0x6a: {  	[tilespmem:s24], [sflag:$0x4] =	stream.linear.gather [hbm4b:s7+s4], $0x50, $0x38;
	[tilespmem:$0x1B880] =	vst v63  }
0x6b: {  	s9 =	simm.s32 $0xF0  }
0x6c: {  	[tilespmem:s26], [sflag:$0x2] =	stream.indirect.gather [hbm4b:s1+s25], $0x80, s9, s25, $0xb8;
	[tilespmem:$0x1B880] =	vst v63  }
0x6d: {  	_ =	swait.ge [sflag:s30], $0x50  }
0x6e: {  	[sflag:s30] =	ssyncset.done $0x0  }
0x6f: {  	[sflag:s30] =	ssyncadd.s32 $0xFFFFFFB0  }
0x70: {  	_ =	swait.ge [sflag:s31], $0x50  }
0x71: {  	s7 =	simm.s32 $0x14;
	[sflag:s31] =	ssyncset.done $0x0  }
.LBB2_4:
0x72: {  	p0 =	sne.s32 s7, $0x4B0;
	[sflag:s31] =	ssyncadd.s32 $0xFFFFFFB0;
	s6 =	sadd.s32 $0xA0, s6  }
0x73: {  	s8 =	smov.u32 s7;
	s7 =	sadd.s32 $0x14, s7;
	_ =	swait.ge [sflag:s28], $0x2800  }
0x74: {  	[sflag:s28] =	ssyncset.done $0x0  }
0x75: {  	[sflag:s28] =	ssyncadd.s32 $0xFFFFD800  }
0x76: {  	[spmem:s3] =	stream.indirect.scatter.add.f32 [tilespmem:s21], [sflag:$0x5], $0x80, s23, s25, $0xb8;
	[tilespmem:$0x1B880] =	vst v63  }
0x77: {  	_ =	swait.ge [sflag:s22], $0x2800  }
0x78: {  	[sflag:s22] =	ssyncset.done $0x0  }
0x79: {  	s9 =	sadd.s32 s8, s19;
	[sflag:s22] =	ssyncadd.s32 $0xFFFFD800  }
0x7a: {  	[tilespmem:s23], [sflag:$0x3] =	stream.linear.gather [hbm4b:s9+s4], $0x50, $0x38;
	[tilespmem:$0x1B880] =	vst v63  }
0x7b: {  	_ = 	snop  }
0x7c: {  	[tilespmem:s21], [sflag:$0x1] =	stream.indirect.gather [hbm4b:s1+s25], $0x80, s6, s25, $0xb8;
	[tilespmem:$0x1B880] =	vst v63  }
0x7d: {  	_ =	swait.ge [sflag:s29], $0x2800  }
0x7e: {  	[sflag:s29] =	ssyncset.done $0x0  }
0x7f: {  	[sflag:s29] =	ssyncadd.s32 $0xFFFFD800  }
0x80: {  	[spmem:s3] =	stream.indirect.scatter.add.f32 [tilespmem:s26], [sflag:$0x5], $0x80, s24, s25, $0xb8;
	[tilespmem:$0x1B880] =	vst v63  }
0x81: {  	_ =	swait.ge [sflag:s22], $0x2800  }
0x82: {  	[sflag:s22] =	ssyncset.done $0x0  }
0x83: {  	s8 =	sadd.s32 s8, s20;
	[sflag:s22] =	ssyncadd.s32 $0xFFFFD800  }
0x84: {  	[tilespmem:s24], [sflag:$0x4] =	stream.linear.gather [hbm4b:s8+s4], $0x50, $0x38;
	[tilespmem:$0x1B880] =	vst v63  }
0x85: {  	s8 =	sadd.s32 $0x50, s6  }
0x86: {  	[tilespmem:s26], [sflag:$0x2] =	stream.indirect.gather [hbm4b:s1+s25], $0x80, s8, s25, $0xb8;
	[tilespmem:$0x1B880] =	vst v63  }
.Ltmp1:
0x87: {  	_ =	swait.ge [sflag:s30], $0x50;
	(pc) =	sbr.rel @p0 .LBB2_4-.Ltmp1, $4  }
0x88: {  	[sflag:s30] =	ssyncset.done $0x0  }
0x89: {  	[sflag:s30] =	ssyncadd.s32 $0xFFFFFFB0  }
0x8a: {  	_ =	swait.ge [sflag:s31], $0x50  }
0x8b: {  	[sflag:s31] =	ssyncset.done $0x0  }
0x8c: {  	[sflag:s31] =	ssyncadd.s32 $0xFFFFFFB0  }
0x8d: {  	_ =	swait.ge [sflag:s28], $0x2800  }
0x8e: {  	[sflag:s28] =	ssyncset.done $0x0  }
0x8f: {  	[sflag:s28] =	ssyncadd.s32 $0xFFFFD800  }
0x90: {  	[spmem:s3] =	stream.indirect.scatter.add.f32 [tilespmem:s21], [sflag:$0x5], $0x80, s23, s25, $0xb8;
	[tilespmem:$0x1B880] =	vst v63  }
0x91: {  	_ =	swait.ge [sflag:s22], $0x2800  }
0x92: {  	[sflag:s22] =	ssyncset.done $0x0  }
0x93: {  	[sflag:s22] =	ssyncadd.s32 $0xFFFFD800  }
0x94: {  	[tilespmem:s23], [sflag:$0x3] =	stream.linear.gather [hbm4b:s18+s4], $0x50, $0x38;
	[tilespmem:$0x1B880] =	vst v63  }
0x95: {  	_ = 	snop  }
0x96: {  	[tilespmem:s21], [sflag:$0x1] =	stream.indirect.gather [hbm4b:s1+s25], $0x80, s2, s25, $0xb8;
	[tilespmem:$0x1B880] =	vst v63  }
0x97: {  	_ =	swait.ge [sflag:s29], $0x2800  }
0x98: {  	[sflag:s29] =	ssyncset.done $0x0  }
0x99: {  	[sflag:s29] =	ssyncadd.s32 $0xFFFFD800  }
0x9a: {  	[spmem:s3] =	stream.indirect.scatter.add.f32 [tilespmem:s26], [sflag:$0x5], $0x80, s24, s25, $0xb8;
	[tilespmem:$0x1B880] =	vst v63  }
0x9b: {  	_ =	swait.ge [sflag:s22], $0x2800  }
0x9c: {  	[sflag:s22] =	ssyncset.done $0x0  }
0x9d: {  	[sflag:s22] =	ssyncadd.s32 $0xFFFFD800  }
0x9e: {  	[tilespmem:s24], [sflag:$0x4] =	stream.linear.gather [hbm4b:s18+s4], $0x50, $0x38;
	[tilespmem:$0x1B880] =	vst v63  }
0x9f: {  	_ = 	snop  }
0xa0: {  	[tilespmem:s26], [sflag:$0x2] =	stream.indirect.gather [hbm4b:s1+s25], $0x80, s2, s25, $0xb8;
	[tilespmem:$0x1B880] =	vst v63  }
0xa1: {  	_ =	swait.ge [sflag:s30], $0x50  }
0xa2: {  	[sflag:s30] =	ssyncset.done $0x0  }
0xa3: {  	[sflag:s30] =	ssyncadd.s32 $0xFFFFFFB0  }
0xa4: {  	_ =	swait.ge [sflag:s31], $0x50  }
0xa5: {  	[sflag:s31] =	ssyncset.done $0x0  }
0xa6: {  	[sflag:s31] =	ssyncadd.s32 $0xFFFFFFB0  }
0xa7: {  	_ =	swait.ge [sflag:s28], $0x2800  }
0xa8: {  	[sflag:s28] =	ssyncset.done $0x0  }
0xa9: {  	[sflag:s28] =	ssyncadd.s32 $0xFFFFD800  }
0xaa: {  	[spmem:s3] =	stream.indirect.scatter.add.f32 [tilespmem:s21], [sflag:$0x5], $0x80, s23, s25, $0xb8;
	[tilespmem:$0x1B880] =	vst v63  }
0xab: {  	_ =	swait.ge [sflag:s22], $0x2800  }
0xac: {  	[sflag:s22] =	ssyncset.done $0x0  }
0xad: {  	[sflag:s22] =	ssyncadd.s32 $0xFFFFD800  }
0xae: {  	s6 =	stileid.u32;
	_ =	swait.ge [sflag:s29], $0x2800  }
0xaf: {  	s7 =	sshrl.u32 s5, $0x3;
	s0 =	sadd.s32 $0x1, s0;
	[sflag:s29] =	ssyncset.done $0x0  }
0xb0: {  	s6 =	sshll.u32 s6, $0x6;
	p0 =	sne.s32 s0, s17;
	[sflag:s29] =	ssyncadd.s32 $0xFFFFD800  }
.Ltmp2:
0xb1: {  	s6 =	sor.u32 $0x1C05, s6;
	[bflag:$0x0] =	sbarrier.arrive $0xFFFF;
	(pc) =	sbr.rel @p0 .LBB2_1-.Ltmp2, $4  }
0xb2: {  	[hbm:s16], [sflag:s6] =	dma.local [spmem:s7], $0x2800  }
0xb3: {  	_ =	swait.ge [sflag:s22], $0x2800  }
0xb4: {  	[sflag:s22] =	ssyncset.done $0x0  }
0xb5: {  	[sflag:s22] =	ssyncadd.s32 $0xFFFFD800  }
0xb6: {  	_ =	sfence.sel $0x180000  }
0xb7: {  	[bflag:$0x0] =	sbarrier.arrive $0xFFFF  }
0xb8: {  	_ =	strace $0x90000047  }
0xb9: {  	s0 =	stileid.u32;
	[bflag:$0x2] =	sbarrier.arrive $0xFFFF  }
0xba: {  	p0 =	sne.s32 s0, $0x0;
	s0 =	rddreg [dreg:$0x4]  }
0xbb: {  	s0 =	sadd.s32 @!p0 $0x100000, s0  }
0xbc: {  	[sflag:s0] =	ssyncadd.tile.s32 @!p0 $0x1;
	_ =	shalt  }
.Lfunc_end2:
_tile_overlayer_lowered:
.L_overlay_start_2:
0xbd: {  	(tag) =	ssettag $0x2  }
0xbe: {  	s0 =	rddreg [dreg:$0x0];
	s2 =	stileid.u32  }
0xbf: {  	s1 =	rddreg [dreg:$0x1];
	p0 =	sne.s32 s2, $0x0  }
0xc0: {  	s3 =	rddreg [dreg:$0x2];
	[bflag:$0x3] =	sbarrier.arrive $0xFFFF;
	s2 =	simm.s32 @!p0 $0x1C05  }
0xc1: {  	[timem:s3], [sflag:s2] =	dma.local @!p0 [hbm:s0], s1  }
0xc2: {  	s0 =	simm.s32 @!p0 $0x5  }
0xc3: {  	_ =	swait.ge @!p0 [sflag:s0], s1  }
0xc4: {  	s1 =	ssub.s32 @!p0 $0x0, s1;
	[sflag:s0] =	ssyncset.done @!p0 $0x0  }
0xc5: {  	[sflag:s0] =	ssyncadd.s32 @!p0 s1  }
0xc6: {  	[bflag:$0x3] =	sbarrier.arrive $0xFFFF  }
0xc7: {  	_ =	shalt  }

</sc_bundles>
